<compile_context>
chip_gen: v7x
topology: tpu7x:2x2x1
jax: 0.10.2.dev20260603
libtpu: 0.0.44.dev20260713+nightly
codegen_flags: <defaults>
</compile_context>

<pallas_src>
import functools

import jax
import jax.numpy as jnp
from jax import lax
from jax.experimental import pallas as pl
from jax.experimental.pallas import tpu as pltpu
from jax.experimental.pallas import tpu_sc as plsc

ALPHA = 0.1
DIM = 128
N_EDGE = 2000
N_ACC = 2048
NNZ = 320000
CHUNK = 128
NUM_CHUNKS = NNZ // CHUNK
NC = 2
NS = 16
NW = NC * NS
FULL_ITERS = NUM_CHUNKS // NW
TAIL = NUM_CHUNKS - FULL_ITERS * NW
ROWS_PER_SUB = N_ACC // NS
NB = 2
SPAN = 80
KBIG = 1024.0


def _sc_segment_sum(cell_feat, node_idx, edge_idx, zacc):
    mesh = plsc.VectorSubcoreMesh(core_axis_name="c", subcore_axis_name="s")

    @functools.partial(
        pl.kernel,
        out_type=jax.ShapeDtypeStruct((NC, N_ACC, DIM), jnp.float32),
        mesh=mesh,
        scratch_types=[
            pltpu.VMEM((SPAN, CHUNK), jnp.int32),
            pltpu.VMEM((SPAN, CHUNK), jnp.int32),
            pltpu.VMEM((NB, CHUNK, DIM), jnp.float32),
            pltpu.VMEM_SHARED((N_ACC, DIM), jnp.float32),
            pltpu.SemaphoreType.DMA((NB,)),
        ],
    )
    def sc_kernel(cell_hbm, nidx_hbm, eidx_hbm, zacc_hbm,
                  acc_out, nidx_v, eidx_v, rows_v,
                  acc_sh, sem_g):
        c = lax.axis_index("c")
        s = lax.axis_index("s")
        wid = c * NS + s
        row0 = s * ROWS_PER_SUB
        span0 = wid * SPAN

        pltpu.sync_copy(nidx_hbm.at[pl.ds(span0, SPAN)], nidx_v)
        pltpu.sync_copy(eidx_hbm.at[pl.ds(span0, SPAN)], eidx_v)
        pltpu.sync_copy(zacc_hbm.at[pl.ds(row0, ROWS_PER_SUB)],
                        acc_sh.at[pl.ds(row0, ROWS_PER_SUB)])
        plsc.subcore_barrier()

        def gather_desc(t, b):
            return pltpu.make_async_copy(cell_hbm.at[nidx_v.at[t]],
                                         rows_v.at[b], sem_g.at[b])

        for b in range(NB):
            gather_desc(b, b).start()

        @pl.loop(0, FULL_ITERS, step=NB)
        def _(t):
            for b in range(NB):
                tt = t + b
                gather_desc(tt, b).wait()
                pltpu.sync_copy(rows_v.at[b], acc_sh.at[eidx_v.at[tt]],
                                add=True)

                @pl.when(tt + NB < FULL_ITERS)
                def _():
                    gather_desc(tt + NB, b).start()

        @pl.when(wid < TAIL)
        def _():
            gather_desc(FULL_ITERS, 0).start()
            gather_desc(FULL_ITERS, 0).wait()
            pltpu.sync_copy(rows_v.at[0], acc_sh.at[eidx_v.at[FULL_ITERS]],
                            add=True)

        plsc.subcore_barrier()
        pltpu.sync_copy(acc_sh.at[pl.ds(row0, ROWS_PER_SUB)],
                        acc_out.at[c, pl.ds(row0, ROWS_PER_SUB)])

    return sc_kernel(cell_feat, node_idx, edge_idx, zacc)


def _tc_dense_body(acc_ref, df_ref, wd_ref, bd_ref, wc_ref, bc_ref,
                   we_ref, be_ref, g_ref, b_ref, out_ref):
    full = acc_ref[0, :N_EDGE, :] + acc_ref[1, :N_EDGE, :]
    acc127 = full[:, DIM - 1:]
    cnt = jnp.round(acc127 * (1.0 / KBIG))
    col_mask = (lax.broadcasted_iota(jnp.int32, (1, DIM), 1) == DIM - 1)
    T0 = full - jnp.where(col_mask, KBIG * cnt, 0.0)
    Bg = jnp.where(cnt > 0, lax.rsqrt(cnt), 0.0)
    sq = jnp.sqrt(cnt)

    def matT(x, w):
        return lax.dot_general(x, w, (((1,), (1,)), ((), ())),
                               preferred_element_type=jnp.float32)

    S = matT(Bg * T0, wc_ref[...]) + sq * bc_ref[...]
    feat = matT(df_ref[...], wd_ref[...]) + bd_ref[...]
    for i in range(3):
        h = matT(S, we_ref[i]) + be_ref[i] + ALPHA * feat
        h = h * jax.nn.sigmoid(h)
        m = jnp.mean(h, axis=1, keepdims=True)
        v = jnp.mean((h - m) ** 2, axis=1, keepdims=True)
        feat = (h - m) * lax.rsqrt(v + 1e-5) * g_ref[...] + b_ref[...]
    out_ref[...] = feat


def kernel(drug_feat, cell_feat, hyperedge_index, drug_lin_w, drug_lin_b,
           cell_lin_w, cell_lin_b, linV_w, linE_w, biasV, biasE, ln_g, ln_b):
    def _span_layout(idx):
        x = idx.reshape(NUM_CHUNKS, CHUNK)
        main = x[: NW * FULL_ITERS].reshape(NW, FULL_ITERS, CHUNK)
        pad = jnp.zeros((NW, SPAN - FULL_ITERS, CHUNK), jnp.int32)
        pad = pad.at[:TAIL, 0].set(x[NW * FULL_ITERS:])
        return jnp.concatenate([main, pad], axis=1).reshape(NW * SPAN, CHUNK)

    node_idx = _span_layout(hyperedge_index[0])
    edge_idx = _span_layout(hyperedge_index[1])
    zacc = jnp.zeros((N_ACC, DIM), jnp.float32)
    cell_mod = cell_feat.at[:, DIM - 1].add(KBIG)

    acc = _sc_segment_sum(cell_mod, node_idx, edge_idx, zacc)

    out = pl.pallas_call(
        _tc_dense_body,
        out_shape=jax.ShapeDtypeStruct((N_EDGE, DIM), jnp.float32),
    )(acc, drug_feat,
      drug_lin_w, drug_lin_b.reshape(1, DIM),
      cell_lin_w, cell_lin_b.reshape(1, DIM),
      linE_w, biasE.reshape(3, 1, DIM),
      ln_g.reshape(1, DIM), ln_b.reshape(1, DIM))
    return out

# --- scband reference (transcript-rebuilt; emitter-appended) ---
"""Pipeline reference for scband-drug-feat-extr-88046829568464 (READ-ONLY COPY).

The authoritative reference and input builder live on the scoring server;
editing this copy changes nothing except your own understanding.
"""

import jax, jax.numpy as jnp
import numpy as np

L = 3
ALPHA = 0.1
DIM = 128
N_CELL = 10000
N_DRUG = 2000
NNZ = 320000


def setup_inputs(seed: int = 0) -> dict:
    key = jax.random.key(seed)
    ks = jax.random.split(key, 12)
    s = 1.0 / np.sqrt(DIM)
    inp = {}
    inp["drug_feat"] = jax.random.normal(ks[0], (N_DRUG, DIM), dtype=jnp.float32)
    inp["cell_feat"] = jax.random.normal(ks[1], (N_CELL, DIM), dtype=jnp.float32)
    node_idx = jax.random.randint(ks[2], (NNZ,), 0, N_CELL, dtype=jnp.int32)
    edge_idx = jax.random.randint(ks[3], (NNZ,), 0, N_DRUG, dtype=jnp.int32)
    inp["hyperedge_index"] = jnp.stack([node_idx, edge_idx])
    inp["drug_lin_w"] = jax.random.normal(ks[4], (DIM, DIM), dtype=jnp.float32) * s
    inp["drug_lin_b"] = jnp.zeros((DIM,), dtype=jnp.float32)
    inp["cell_lin_w"] = jax.random.normal(ks[5], (DIM, DIM), dtype=jnp.float32) * s
    inp["cell_lin_b"] = jnp.zeros((DIM,), dtype=jnp.float32)
    inp["linV_w"] = jax.random.normal(ks[6], (L, DIM, DIM), dtype=jnp.float32) * s
    inp["linE_w"] = jax.random.normal(ks[7], (L, DIM, DIM), dtype=jnp.float32) * s
    inp["biasV"] = jnp.zeros((L, DIM), dtype=jnp.float32)
    inp["biasE"] = jnp.zeros((L, DIM), dtype=jnp.float32)
    inp["ln_g"] = jnp.ones((DIM,), dtype=jnp.float32)
    inp["ln_b"] = jnp.zeros((DIM,), dtype=jnp.float32)
    return inp


def _swish(x):
    return x * jax.nn.sigmoid(x)


def _layernorm(x, g, b):
    m = x.mean(axis=-1, keepdims=True)
    v = ((x - m) ** 2).mean(axis=-1, keepdims=True)
    return (x - m) / jnp.sqrt(v + 1e-5) * g + b


def reference(drug_feat, cell_feat, hyperedge_index, drug_lin_w, drug_lin_b,
              cell_lin_w, cell_lin_b, linV_w, linE_w, biasV, biasE, ln_g, ln_b):
    node_idx = hyperedge_index[0]
    edge_idx = hyperedge_index[1]
    num_nodes = cell_feat.shape[0]
    num_edges = drug_feat.shape[0]  # == int(hyperedge_index[1].max()) + 1 by construction

    # outer linear projections
    d = drug_feat @ drug_lin_w.T + drug_lin_b
    c = cell_feat @ cell_lin_w.T + cell_lin_b

    # degree normalizations (hyperedge_weight defaults to ones); sqrt_norm=True -> power -0.5
    hw = jnp.ones((num_edges,), dtype=jnp.float32)
    Dg = jax.ops.segment_sum(hw[edge_idx], node_idx, num_segments=num_nodes)
    Bg = jax.ops.segment_sum(jnp.ones((edge_idx.shape[0],), dtype=jnp.float32), edge_idx, num_segments=num_edges)
    Dg = jnp.where(Dg > 0, Dg ** -0.5, 0.0)
    Bg = jnp.where(Bg > 0, Bg ** -0.5, 0.0)

    feat_drug, feat_cell = d, c
    for i in range(L):
        xE = c @ linE_w[i].T      # linE applied to node (cell) features
        attrV = d @ linV_w[i].T   # linV applied to hyperedge (drug) attrs
        edge_out = jax.ops.segment_sum(Bg[edge_idx][:, None] * xE[node_idx], edge_idx, num_segments=num_edges) + biasE[i]
        node_out = jax.ops.segment_sum(Dg[node_idx][:, None] * attrV[edge_idx], node_idx, num_segments=num_nodes) + biasV[i]
        feat_drug = _layernorm(_swish(edge_out + ALPHA * feat_drug), ln_g, ln_b)
        feat_cell = _layernorm(_swish(node_out + ALPHA * feat_cell), ln_g, ln_b)
    return feat_drug

if __name__ == "__main__":
    import jax
    _d = setup_inputs()
    print(jax.jit(kernel)(*tuple(_d.values())))

</pallas_src>

<mosaic_0001>
#map = affine_map<(d0, d1) -> (0, 0)>
#map1 = affine_map<(d0, d1) -> (0, 0, 0)>
module attributes {stable_mosaic.version = 14 : i64} {
  func.func @sc_kernel(%arg0: i32, %arg1: i32, %arg2: memref<10000x128xf32, #tpu.memory_space<hbm>>, %arg3: memref<2560x128xi32, #tpu.memory_space<hbm>>, %arg4: memref<2560x128xi32, #tpu.memory_space<hbm>>, %arg5: memref<2048x128xf32, #tpu.memory_space<hbm>>, %arg6: memref<2x2048x128xf32, #tpu.memory_space<hbm>>, %arg7: memref<80x128xi32, #tpu.memory_space<vmem>>, %arg8: memref<80x128xi32, #tpu.memory_space<vmem>>, %arg9: memref<2x128x128xf32, #tpu.memory_space<vmem>>, %arg10: memref<2048x128xf32, #tpu.memory_space<vmem_shared>>, %arg11: memref<2x!tpu.dma_semaphore, #tpu.memory_space<semaphore_mem>>) attributes {dimension_semantics = [#tpu.dimension_semantics<core_parallel>, #tpu.dimension_semantics<subcore_parallel>], iteration_bounds = array<i64: 2, 16>, scalar_prefetch = 0 : i64, scratch_operands = 5 : i64, tpu.core_type = #tpu.core_type<sc_vector_subcore>, window_params = [{transform_indices = #map}, {transform_indices = #map}, {transform_indices = #map}, {transform_indices = #map}, {transform_indices = #map1}]} {
    %mul3A = arith.constant 16 : i32
    %mul3A_0 = arith.muli %arg0, %mul3A : i32
    %add3A = arith.addi %mul3A_0, %arg1 : i32
    %mul3A_1 = arith.constant 128 : i32
    %mul3A_2 = arith.muli %arg1, %mul3A_1 : i32
    %mul3A_3 = arith.constant 80 : i32
    %mul3A_4 = arith.muli %add3A, %mul3A_3 : i32
    "tpu.region"() ({
      %run_scoped3A = tpu.sem_alloc : memref<!tpu.dma_semaphore, #tpu.memory_space<semaphore_mem>>
      %dma_start3A_41 = arith.constant 0 : i32
      %dma_start3A_42 = tpu.memref_slice %arg3[%mul3A_4, %dma_start3A_41] : memref<2560x128xi32, #tpu.memory_space<hbm>> -> memref<80x128xi32, #tpu.memory_space<hbm>>
      %dma_start3A_43 = arith.constant 0 : i32
      %dma_start3A_44 = tpu.memref_slice %arg3[%mul3A_4, %dma_start3A_43] : memref<2560x128xi32, #tpu.memory_space<hbm>> -> memref<80x128xi32, #tpu.memory_space<hbm>>
      tpu.enqueue_dma source(%dma_start3A_44 : memref<80x128xi32, #tpu.memory_space<hbm>>) target(%arg7 : memref<80x128xi32, #tpu.memory_space<vmem>>) target_semaphore(%run_scoped3A : memref<!tpu.dma_semaphore, #tpu.memory_space<semaphore_mem>>)
      %dma_wait3A = arith.constant 0 : i32
      %dma_wait3A_45 = tpu.memref_slice %arg3[%mul3A_4, %dma_wait3A] : memref<2560x128xi32, #tpu.memory_space<hbm>> -> memref<80x128xi32, #tpu.memory_space<hbm>>
      %dma_wait3A_46 = arith.constant 0 : i32
      %dma_wait3A_47 = tpu.memref_slice %arg3[%mul3A_4, %dma_wait3A_46] : memref<2560x128xi32, #tpu.memory_space<hbm>> -> memref<80x128xi32, #tpu.memory_space<hbm>>
      tpu.wait_dma2 semaphore(%run_scoped3A : memref<!tpu.dma_semaphore, #tpu.memory_space<semaphore_mem>>) src(%dma_wait3A_47 : memref<80x128xi32, #tpu.memory_space<hbm>>) dst(%arg7 : memref<80x128xi32, #tpu.memory_space<vmem>>)
      tpu.yield
    }) : () -> ()
    "tpu.region"() ({
      %run_scoped3A = tpu.sem_alloc : memref<!tpu.dma_semaphore, #tpu.memory_space<semaphore_mem>>
      %dma_start3A_41 = arith.constant 0 : i32
      %dma_start3A_42 = tpu.memref_slice %arg4[%mul3A_4, %dma_start3A_41] : memref<2560x128xi32, #tpu.memory_space<hbm>> -> memref<80x128xi32, #tpu.memory_space<hbm>>
      %dma_start3A_43 = arith.constant 0 : i32
      %dma_start3A_44 = tpu.memref_slice %arg4[%mul3A_4, %dma_start3A_43] : memref<2560x128xi32, #tpu.memory_space<hbm>> -> memref<80x128xi32, #tpu.memory_space<hbm>>
      tpu.enqueue_dma source(%dma_start3A_44 : memref<80x128xi32, #tpu.memory_space<hbm>>) target(%arg8 : memref<80x128xi32, #tpu.memory_space<vmem>>) target_semaphore(%run_scoped3A : memref<!tpu.dma_semaphore, #tpu.memory_space<semaphore_mem>>)
      %dma_wait3A = arith.constant 0 : i32
      %dma_wait3A_45 = tpu.memref_slice %arg4[%mul3A_4, %dma_wait3A] : memref<2560x128xi32, #tpu.memory_space<hbm>> -> memref<80x128xi32, #tpu.memory_space<hbm>>
      %dma_wait3A_46 = arith.constant 0 : i32
      %dma_wait3A_47 = tpu.memref_slice %arg4[%mul3A_4, %dma_wait3A_46] : memref<2560x128xi32, #tpu.memory_space<hbm>> -> memref<80x128xi32, #tpu.memory_space<hbm>>
      tpu.wait_dma2 semaphore(%run_scoped3A : memref<!tpu.dma_semaphore, #tpu.memory_space<semaphore_mem>>) src(%dma_wait3A_47 : memref<80x128xi32, #tpu.memory_space<hbm>>) dst(%arg8 : memref<80x128xi32, #tpu.memory_space<vmem>>)
      tpu.yield
    }) : () -> ()
    "tpu.region"() ({
      %run_scoped3A = tpu.sem_alloc : memref<!tpu.dma_semaphore, #tpu.memory_space<semaphore_mem>>
      %dma_start3A_41 = arith.constant 0 : i32
      %dma_start3A_42 = tpu.memref_slice %arg10[%mul3A_2, %dma_start3A_41] : memref<2048x128xf32, #tpu.memory_space<vmem_shared>> -> memref<128x128xf32, #tpu.memory_space<vmem_shared>>
      %dma_start3A_43 = arith.constant 0 : i32
      %dma_start3A_44 = tpu.memref_slice %arg5[%mul3A_2, %dma_start3A_43] : memref<2048x128xf32, #tpu.memory_space<hbm>> -> memref<128x128xf32, #tpu.memory_space<hbm>>
      tpu.enqueue_dma source(%dma_start3A_44 : memref<128x128xf32, #tpu.memory_space<hbm>>) target(%dma_start3A_42 : memref<128x128xf32, #tpu.memory_space<vmem_shared>>) target_semaphore(%run_scoped3A : memref<!tpu.dma_semaphore, #tpu.memory_space<semaphore_mem>>)
      %dma_wait3A = arith.constant 0 : i32
      %dma_wait3A_45 = tpu.memref_slice %arg10[%mul3A_2, %dma_wait3A] : memref<2048x128xf32, #tpu.memory_space<vmem_shared>> -> memref<128x128xf32, #tpu.memory_space<vmem_shared>>
      %dma_wait3A_46 = arith.constant 0 : i32
      %dma_wait3A_47 = tpu.memref_slice %arg5[%mul3A_2, %dma_wait3A_46] : memref<2048x128xf32, #tpu.memory_space<hbm>> -> memref<128x128xf32, #tpu.memory_space<hbm>>
      tpu.wait_dma2 semaphore(%run_scoped3A : memref<!tpu.dma_semaphore, #tpu.memory_space<semaphore_mem>>) src(%dma_wait3A_47 : memref<128x128xf32, #tpu.memory_space<hbm>>) dst(%dma_wait3A_45 : memref<128x128xf32, #tpu.memory_space<vmem_shared>>)
      tpu.yield
    }) : () -> ()
    %barrier3A = arith.constant 0 : index
    tpu.barrier barrier_id(%barrier3A)
    %dma_start3A = arith.constant 0 : i32
    %dma_start3A_5 = arith.constant 0 : i32
    %dma_start3A_6 = arith.constant 0 : i32
    %dma_start3A_7 = arith.constant 0 : i32
    %dma_start3A_8 = arith.constant 0 : i32
    %dma_start3A_9 = tpu.memref_slice %arg9[%dma_start3A_5, %dma_start3A_7, %dma_start3A_8] : memref<2x128x128xf32, #tpu.memory_space<vmem>> -> memref<1x128x128xf32, #tpu.memory_space<vmem>>
    %dma_start3A_10 = tpu.memref_squeeze %dma_start3A_9 : memref<1x128x128xf32, #tpu.memory_space<vmem>> -> memref<128x128xf32, #tpu.memory_space<vmem>>
    %dma_start3A_11 = arith.constant 0 : i32
    %dma_start3A_12 = tpu.memref_slice %arg7[%dma_start3A, %dma_start3A_11] : memref<80x128xi32, #tpu.memory_space<vmem>> -> memref<1x128xi32, #tpu.memory_space<vmem>>
    %dma_start3A_13 = tpu.memref_squeeze %dma_start3A_12 : memref<1x128xi32, #tpu.memory_space<vmem>> -> memref<128xi32, #tpu.memory_space<vmem>>
    %dma_start3A_14 = arith.constant 0 : i32
    %dma_start3A_15 = arith.constant 0 : i32
    %dma_start3A_16 = tpu.memref_slice %arg2[%dma_start3A_14, %dma_start3A_15] : memref<10000x128xf32, #tpu.memory_space<hbm>> -> memref<10000x128xf32, #tpu.memory_space<hbm>>
    %dma_start3A_17 = tpu.memref_slice %arg11[%dma_start3A_6] : memref<2x!tpu.dma_semaphore, #tpu.memory_space<semaphore_mem>> -> memref<1x!tpu.dma_semaphore, #tpu.memory_space<semaphore_mem>>
    %dma_start3A_18 = tpu.memref_squeeze %dma_start3A_17 : memref<1x!tpu.dma_semaphore, #tpu.memory_space<semaphore_mem>> -> memref<!tpu.dma_semaphore, #tpu.memory_space<semaphore_mem>>
    tpu.enqueue_indirect_dma source(%dma_start3A_16 : memref<10000x128xf32, #tpu.memory_space<hbm>>) target(%dma_start3A_10 : memref<128x128xf32, #tpu.memory_space<vmem>>) offsets(%dma_start3A_13 : memref<128xi32, #tpu.memory_space<vmem>>) semaphore(%dma_start3A_18 : memref<!tpu.dma_semaphore, #tpu.memory_space<semaphore_mem>>)
    %dma_start3A_19 = arith.constant 1 : i32
    %dma_start3A_20 = arith.constant 1 : i32
    %dma_start3A_21 = arith.constant 1 : i32
    %dma_start3A_22 = arith.constant 0 : i32
    %dma_start3A_23 = arith.constant 0 : i32
    %dma_start3A_24 = tpu.memref_slice %arg9[%dma_start3A_20, %dma_start3A_22, %dma_start3A_23] : memref<2x128x128xf32, #tpu.memory_space<vmem>> -> memref<1x128x128xf32, #tpu.memory_space<vmem>>
    %dma_start3A_25 = tpu.memref_squeeze %dma_start3A_24 : memref<1x128x128xf32, #tpu.memory_space<vmem>> -> memref<128x128xf32, #tpu.memory_space<vmem>>
    %dma_start3A_26 = arith.constant 0 : i32
    %dma_start3A_27 = tpu.memref_slice %arg7[%dma_start3A_19, %dma_start3A_26] : memref<80x128xi32, #tpu.memory_space<vmem>> -> memref<1x128xi32, #tpu.memory_space<vmem>>
    %dma_start3A_28 = tpu.memref_squeeze %dma_start3A_27 : memref<1x128xi32, #tpu.memory_space<vmem>> -> memref<128xi32, #tpu.memory_space<vmem>>
    %dma_start3A_29 = arith.constant 0 : i32
    %dma_start3A_30 = arith.constant 0 : i32
    %dma_start3A_31 = tpu.memref_slice %arg2[%dma_start3A_29, %dma_start3A_30] : memref<10000x128xf32, #tpu.memory_space<hbm>> -> memref<10000x128xf32, #tpu.memory_space<hbm>>
    %dma_start3A_32 = tpu.memref_slice %arg11[%dma_start3A_21] : memref<2x!tpu.dma_semaphore, #tpu.memory_space<semaphore_mem>> -> memref<1x!tpu.dma_semaphore, #tpu.memory_space<semaphore_mem>>
    %dma_start3A_33 = tpu.memref_squeeze %dma_start3A_32 : memref<1x!tpu.dma_semaphore, #tpu.memory_space<semaphore_mem>> -> memref<!tpu.dma_semaphore, #tpu.memory_space<semaphore_mem>>
    tpu.enqueue_indirect_dma source(%dma_start3A_31 : memref<10000x128xf32, #tpu.memory_space<hbm>>) target(%dma_start3A_25 : memref<128x128xf32, #tpu.memory_space<vmem>>) offsets(%dma_start3A_28 : memref<128xi32, #tpu.memory_space<vmem>>) semaphore(%dma_start3A_33 : memref<!tpu.dma_semaphore, #tpu.memory_space<semaphore_mem>>)
    %scan3A = arith.constant 0 : i32
    %scan3A_34 = arith.constant 39 : i32
    %scan3A_35 = arith.addi %scan3A, %scan3A_34 : i32
    %scan3A_36 = arith.constant 1 : i32
    scf.for %scan3A_41 = %scan3A to %scan3A_35 step %scan3A_36  : i32 {
      %mul3A_42 = arith.constant 2 : i32
      %mul3A_43 = arith.muli %scan3A_41, %mul3A_42 : i32
      %add3A_44 = arith.constant 0 : i32
      %add3A_45 = arith.addi %add3A_44, %mul3A_43 : i32
      %add3A_46 = arith.constant 0 : i32
      %add3A_47 = arith.addi %add3A_45, %add3A_46 : i32
      %dma_wait3A = arith.constant 0 : i32
      %dma_wait3A_48 = arith.constant 0 : i32
      %dma_wait3A_49 = arith.constant 0 : i32
      %dma_wait3A_50 = arith.constant 0 : i32
      %dma_wait3A_51 = tpu.memref_slice %arg9[%dma_wait3A, %dma_wait3A_49, %dma_wait3A_50] : memref<2x128x128xf32, #tpu.memory_space<vmem>> -> memref<1x128x128xf32, #tpu.memory_space<vmem>>
      %dma_wait3A_52 = tpu.memref_squeeze %dma_wait3A_51 : memref<1x128x128xf32, #tpu.memory_space<vmem>> -> memref<128x128xf32, #tpu.memory_space<vmem>>
      %dma_wait3A_53 = arith.constant 0 : i32
      %dma_wait3A_54 = tpu.memref_slice %arg7[%add3A_47, %dma_wait3A_53] : memref<80x128xi32, #tpu.memory_space<vmem>> -> memref<1x128xi32, #tpu.memory_space<vmem>>
      %dma_wait3A_55 = tpu.memref_squeeze %dma_wait3A_54 : memref<1x128xi32, #tpu.memory_space<vmem>> -> memref<128xi32, #tpu.memory_space<vmem>>
      %dma_wait3A_56 = arith.constant 0 : i32
      %dma_wait3A_57 = arith.constant 0 : i32
      %dma_wait3A_58 = tpu.memref_slice %arg2[%dma_wait3A_56, %dma_wait3A_57] : memref<10000x128xf32, #tpu.memory_space<hbm>> -> memref<10000x128xf32, #tpu.memory_space<hbm>>
      %dma_wait3A_59 = tpu.memref_slice %arg11[%dma_wait3A_48] : memref<2x!tpu.dma_semaphore, #tpu.memory_space<semaphore_mem>> -> memref<1x!tpu.dma_semaphore, #tpu.memory_space<semaphore_mem>>
      %dma_wait3A_60 = tpu.memref_squeeze %dma_wait3A_59 : memref<1x!tpu.dma_semaphore, #tpu.memory_space<semaphore_mem>> -> memref<!tpu.dma_semaphore, #tpu.memory_space<semaphore_mem>>
      tpu.wait_indirect_dma semaphore(%dma_wait3A_60 : memref<!tpu.dma_semaphore, #tpu.memory_space<semaphore_mem>>) src(%dma_wait3A_58 : memref<10000x128xf32, #tpu.memory_space<hbm>>) dst(%dma_wait3A_52 : memref<128x128xf32, #tpu.memory_space<vmem>>)
      %run_scoped3A = arith.constant 0 : i32
      "tpu.region"() ({
        %run_scoped3A_92 = tpu.sem_alloc : memref<!tpu.dma_semaphore, #tpu.memory_space<semaphore_mem>>
        %dma_start3A_93 = arith.constant 0 : i32
        %dma_start3A_94 = arith.constant 0 : i32
        %dma_start3A_95 = tpu.memref_slice %arg9[%run_scoped3A, %dma_start3A_93, %dma_start3A_94] : memref<2x128x128xf32, #tpu.memory_space<vmem>> -> memref<1x128x128xf32, #tpu.memory_space<vmem>>
        %dma_start3A_96 = tpu.memref_squeeze %dma_start3A_95 : memref<1x128x128xf32, #tpu.memory_space<vmem>> -> memref<128x128xf32, #tpu.memory_space<vmem>>
        %dma_start3A_97 = arith.constant 0 : i32
        %dma_start3A_98 = tpu.memref_slice %arg8[%add3A_47, %dma_start3A_97] : memref<80x128xi32, #tpu.memory_space<vmem>> -> memref<1x128xi32, #tpu.memory_space<vmem>>
        %dma_start3A_99 = tpu.memref_squeeze %dma_start3A_98 : memref<1x128xi32, #tpu.memory_space<vmem>> -> memref<128xi32, #tpu.memory_space<vmem>>
        %dma_start3A_100 = arith.constant 0 : i32
        %dma_start3A_101 = arith.constant 0 : i32
        %dma_start3A_102 = tpu.memref_slice %arg10[%dma_start3A_100, %dma_start3A_101] : memref<2048x128xf32, #tpu.memory_space<vmem_shared>> -> memref<2048x128xf32, #tpu.memory_space<vmem_shared>>
        tpu.enqueue_indirect_dma source(%dma_start3A_96 : memref<128x128xf32, #tpu.memory_space<vmem>>) target(%dma_start3A_102 : memref<2048x128xf32, #tpu.memory_space<vmem_shared>>) offsets(%dma_start3A_99 : memref<128xi32, #tpu.memory_space<vmem>>) semaphore(%run_scoped3A_92 : memref<!tpu.dma_semaphore, #tpu.memory_space<semaphore_mem>>) {add = true}
        %dma_wait3A_103 = arith.constant 0 : i32
        %dma_wait3A_104 = arith.constant 0 : i32
        %dma_wait3A_105 = tpu.memref_slice %arg9[%run_scoped3A, %dma_wait3A_103, %dma_wait3A_104] : memref<2x128x128xf32, #tpu.memory_space<vmem>> -> memref<1x128x128xf32, #tpu.memory_space<vmem>>
        %dma_wait3A_106 = tpu.memref_squeeze %dma_wait3A_105 : memref<1x128x128xf32, #tpu.memory_space<vmem>> -> memref<128x128xf32, #tpu.memory_space<vmem>>
        %dma_wait3A_107 = arith.constant 0 : i32
        %dma_wait3A_108 = tpu.memref_slice %arg8[%add3A_47, %dma_wait3A_107] : memref<80x128xi32, #tpu.memory_space<vmem>> -> memref<1x128xi32, #tpu.memory_space<vmem>>
        %dma_wait3A_109 = tpu.memref_squeeze %dma_wait3A_108 : memref<1x128xi32, #tpu.memory_space<vmem>> -> memref<128xi32, #tpu.memory_space<vmem>>
        %dma_wait3A_110 = arith.constant 0 : i32
        %dma_wait3A_111 = arith.constant 0 : i32
        %dma_wait3A_112 = tpu.memref_slice %arg10[%dma_wait3A_110, %dma_wait3A_111] : memref<2048x128xf32, #tpu.memory_space<vmem_shared>> -> memref<2048x128xf32, #tpu.memory_space<vmem_shared>>
        tpu.wait_indirect_dma semaphore(%run_scoped3A_92 : memref<!tpu.dma_semaphore, #tpu.memory_space<semaphore_mem>>) src(%dma_wait3A_106 : memref<128x128xf32, #tpu.memory_space<vmem>>) dst(%dma_wait3A_112 : memref<2048x128xf32, #tpu.memory_space<vmem_shared>>)
        tpu.yield
      }) : () -> ()
      %add3A_61 = arith.constant 2 : i32
      %add3A_62 = arith.addi %add3A_47, %add3A_61 : i32
      %lt3A_63 = arith.constant 78 : i32
      %lt3A_64 = arith.cmpi slt, %add3A_62, %lt3A_63 : i32
      %convert_element_type3A_65 = arith.extui %lt3A_64 : i1 to i32
      %cond3A_66 = arith.constant 0 : i32
      %cond3A_67 = arith.cmpi ne, %convert_element_type3A_65, %cond3A_66 : i32
      scf.if %cond3A_67 {
        %add3A_92 = arith.constant 2 : i32
        %add3A_93 = arith.addi %add3A_47, %add3A_92 : i32
        %dma_start3A_94 = arith.constant 0 : i32
        %dma_start3A_95 = arith.constant 0 : i32
        %dma_start3A_96 = arith.constant 0 : i32
        %dma_start3A_97 = arith.constant 0 : i32
        %dma_start3A_98 = tpu.memref_slice %arg9[%dma_start3A_94, %dma_start3A_96, %dma_start3A_97] : memref<2x128x128xf32, #tpu.memory_space<vmem>> -> memref<1x128x128xf32, #tpu.memory_space<vmem>>
        %dma_start3A_99 = tpu.memref_squeeze %dma_start3A_98 : memref<1x128x128xf32, #tpu.memory_space<vmem>> -> memref<128x128xf32, #tpu.memory_space<vmem>>
        %dma_start3A_100 = arith.constant 0 : i32
        %dma_start3A_101 = tpu.memref_slice %arg7[%add3A_93, %dma_start3A_100] : memref<80x128xi32, #tpu.memory_space<vmem>> -> memref<1x128xi32, #tpu.memory_space<vmem>>
        %dma_start3A_102 = tpu.memref_squeeze %dma_start3A_101 : memref<1x128xi32, #tpu.memory_space<vmem>> -> memref<128xi32, #tpu.memory_space<vmem>>
        %dma_start3A_103 = arith.constant 0 : i32
        %dma_start3A_104 = arith.constant 0 : i32
        %dma_start3A_105 = tpu.memref_slice %arg2[%dma_start3A_103, %dma_start3A_104] : memref<10000x128xf32, #tpu.memory_space<hbm>> -> memref<10000x128xf32, #tpu.memory_space<hbm>>
        %dma_start3A_106 = tpu.memref_slice %arg11[%dma_start3A_95] : memref<2x!tpu.dma_semaphore, #tpu.memory_space<semaphore_mem>> -> memref<1x!tpu.dma_semaphore, #tpu.memory_space<semaphore_mem>>
        %dma_start3A_107 = tpu.memref_squeeze %dma_start3A_106 : memref<1x!tpu.dma_semaphore, #tpu.memory_space<semaphore_mem>> -> memref<!tpu.dma_semaphore, #tpu.memory_space<semaphore_mem>>
        tpu.enqueue_indirect_dma source(%dma_start3A_105 : memref<10000x128xf32, #tpu.memory_space<hbm>>) target(%dma_start3A_99 : memref<128x128xf32, #tpu.memory_space<vmem>>) offsets(%dma_start3A_102 : memref<128xi32, #tpu.memory_space<vmem>>) semaphore(%dma_start3A_107 : memref<!tpu.dma_semaphore, #tpu.memory_space<semaphore_mem>>)
      } else {
      }
      %add3A_68 = arith.constant 1 : i32
      %add3A_69 = arith.addi %add3A_45, %add3A_68 : i32
      %dma_wait3A_70 = arith.constant 1 : i32
      %dma_wait3A_71 = arith.constant 1 : i32
      %dma_wait3A_72 = arith.constant 0 : i32
      %dma_wait3A_73 = arith.constant 0 : i32
      %dma_wait3A_74 = tpu.memref_slice %arg9[%dma_wait3A_70, %dma_wait3A_72, %dma_wait3A_73] : memref<2x128x128xf32, #tpu.memory_space<vmem>> -> memref<1x128x128xf32, #tpu.memory_space<vmem>>
      %dma_wait3A_75 = tpu.memref_squeeze %dma_wait3A_74 : memref<1x128x128xf32, #tpu.memory_space<vmem>> -> memref<128x128xf32, #tpu.memory_space<vmem>>
      %dma_wait3A_76 = arith.constant 0 : i32
      %dma_wait3A_77 = tpu.memref_slice %arg7[%add3A_69, %dma_wait3A_76] : memref<80x128xi32, #tpu.memory_space<vmem>> -> memref<1x128xi32, #tpu.memory_space<vmem>>
      %dma_wait3A_78 = tpu.memref_squeeze %dma_wait3A_77 : memref<1x128xi32, #tpu.memory_space<vmem>> -> memref<128xi32, #tpu.memory_space<vmem>>
      %dma_wait3A_79 = arith.constant 0 : i32
      %dma_wait3A_80 = arith.constant 0 : i32
      %dma_wait3A_81 = tpu.memref_slice %arg2[%dma_wait3A_79, %dma_wait3A_80] : memref<10000x128xf32, #tpu.memory_space<hbm>> -> memref<10000x128xf32, #tpu.memory_space<hbm>>
      %dma_wait3A_82 = tpu.memref_slice %arg11[%dma_wait3A_71] : memref<2x!tpu.dma_semaphore, #tpu.memory_space<semaphore_mem>> -> memref<1x!tpu.dma_semaphore, #tpu.memory_space<semaphore_mem>>
      %dma_wait3A_83 = tpu.memref_squeeze %dma_wait3A_82 : memref<1x!tpu.dma_semaphore, #tpu.memory_space<semaphore_mem>> -> memref<!tpu.dma_semaphore, #tpu.memory_space<semaphore_mem>>
      tpu.wait_indirect_dma semaphore(%dma_wait3A_83 : memref<!tpu.dma_semaphore, #tpu.memory_space<semaphore_mem>>) src(%dma_wait3A_81 : memref<10000x128xf32, #tpu.memory_space<hbm>>) dst(%dma_wait3A_75 : memref<128x128xf32, #tpu.memory_space<vmem>>)
      %run_scoped3A_84 = arith.constant 1 : i32
      "tpu.region"() ({
        %run_scoped3A_92 = tpu.sem_alloc : memref<!tpu.dma_semaphore, #tpu.memory_space<semaphore_mem>>
        %dma_start3A_93 = arith.constant 0 : i32
        %dma_start3A_94 = arith.constant 0 : i32
        %dma_start3A_95 = tpu.memref_slice %arg9[%run_scoped3A_84, %dma_start3A_93, %dma_start3A_94] : memref<2x128x128xf32, #tpu.memory_space<vmem>> -> memref<1x128x128xf32, #tpu.memory_space<vmem>>
        %dma_start3A_96 = tpu.memref_squeeze %dma_start3A_95 : memref<1x128x128xf32, #tpu.memory_space<vmem>> -> memref<128x128xf32, #tpu.memory_space<vmem>>
        %dma_start3A_97 = arith.constant 0 : i32
        %dma_start3A_98 = tpu.memref_slice %arg8[%add3A_69, %dma_start3A_97] : memref<80x128xi32, #tpu.memory_space<vmem>> -> memref<1x128xi32, #tpu.memory_space<vmem>>
        %dma_start3A_99 = tpu.memref_squeeze %dma_start3A_98 : memref<1x128xi32, #tpu.memory_space<vmem>> -> memref<128xi32, #tpu.memory_space<vmem>>
        %dma_start3A_100 = arith.constant 0 : i32
        %dma_start3A_101 = arith.constant 0 : i32
        %dma_start3A_102 = tpu.memref_slice %arg10[%dma_start3A_100, %dma_start3A_101] : memref<2048x128xf32, #tpu.memory_space<vmem_shared>> -> memref<2048x128xf32, #tpu.memory_space<vmem_shared>>
        tpu.enqueue_indirect_dma source(%dma_start3A_96 : memref<128x128xf32, #tpu.memory_space<vmem>>) target(%dma_start3A_102 : memref<2048x128xf32, #tpu.memory_space<vmem_shared>>) offsets(%dma_start3A_99 : memref<128xi32, #tpu.memory_space<vmem>>) semaphore(%run_scoped3A_92 : memref<!tpu.dma_semaphore, #tpu.memory_space<semaphore_mem>>) {add = true}
        %dma_wait3A_103 = arith.constant 0 : i32
        %dma_wait3A_104 = arith.constant 0 : i32
        %dma_wait3A_105 = tpu.memref_slice %arg9[%run_scoped3A_84, %dma_wait3A_103, %dma_wait3A_104] : memref<2x128x128xf32, #tpu.memory_space<vmem>> -> memref<1x128x128xf32, #tpu.memory_space<vmem>>
        %dma_wait3A_106 = tpu.memref_squeeze %dma_wait3A_105 : memref<1x128x128xf32, #tpu.memory_space<vmem>> -> memref<128x128xf32, #tpu.memory_space<vmem>>
        %dma_wait3A_107 = arith.constant 0 : i32
        %dma_wait3A_108 = tpu.memref_slice %arg8[%add3A_69, %dma_wait3A_107] : memref<80x128xi32, #tpu.memory_space<vmem>> -> memref<1x128xi32, #tpu.memory_space<vmem>>
        %dma_wait3A_109 = tpu.memref_squeeze %dma_wait3A_108 : memref<1x128xi32, #tpu.memory_space<vmem>> -> memref<128xi32, #tpu.memory_space<vmem>>
        %dma_wait3A_110 = arith.constant 0 : i32
        %dma_wait3A_111 = arith.constant 0 : i32
        %dma_wait3A_112 = tpu.memref_slice %arg10[%dma_wait3A_110, %dma_wait3A_111] : memref<2048x128xf32, #tpu.memory_space<vmem_shared>> -> memref<2048x128xf32, #tpu.memory_space<vmem_shared>>
        tpu.wait_indirect_dma semaphore(%run_scoped3A_92 : memref<!tpu.dma_semaphore, #tpu.memory_space<semaphore_mem>>) src(%dma_wait3A_106 : memref<128x128xf32, #tpu.memory_space<vmem>>) dst(%dma_wait3A_112 : memref<2048x128xf32, #tpu.memory_space<vmem_shared>>)
        tpu.yield
      }) : () -> ()
      %add3A_85 = arith.constant 2 : i32
      %add3A_86 = arith.addi %add3A_69, %add3A_85 : i32
      %lt3A_87 = arith.constant 78 : i32
      %lt3A_88 = arith.cmpi slt, %add3A_86, %lt3A_87 : i32
      %convert_element_type3A_89 = arith.extui %lt3A_88 : i1 to i32
      %cond3A_90 = arith.constant 0 : i32
      %cond3A_91 = arith.cmpi ne, %convert_element_type3A_89, %cond3A_90 : i32
      scf.if %cond3A_91 {
        %add3A_92 = arith.constant 2 : i32
        %add3A_93 = arith.addi %add3A_69, %add3A_92 : i32
        %dma_start3A_94 = arith.constant 1 : i32
        %dma_start3A_95 = arith.constant 1 : i32
        %dma_start3A_96 = arith.constant 0 : i32
        %dma_start3A_97 = arith.constant 0 : i32
        %dma_start3A_98 = tpu.memref_slice %arg9[%dma_start3A_94, %dma_start3A_96, %dma_start3A_97] : memref<2x128x128xf32, #tpu.memory_space<vmem>> -> memref<1x128x128xf32, #tpu.memory_space<vmem>>
        %dma_start3A_99 = tpu.memref_squeeze %dma_start3A_98 : memref<1x128x128xf32, #tpu.memory_space<vmem>> -> memref<128x128xf32, #tpu.memory_space<vmem>>
        %dma_start3A_100 = arith.constant 0 : i32
        %dma_start3A_101 = tpu.memref_slice %arg7[%add3A_93, %dma_start3A_100] : memref<80x128xi32, #tpu.memory_space<vmem>> -> memref<1x128xi32, #tpu.memory_space<vmem>>
        %dma_start3A_102 = tpu.memref_squeeze %dma_start3A_101 : memref<1x128xi32, #tpu.memory_space<vmem>> -> memref<128xi32, #tpu.memory_space<vmem>>
        %dma_start3A_103 = arith.constant 0 : i32
        %dma_start3A_104 = arith.constant 0 : i32
        %dma_start3A_105 = tpu.memref_slice %arg2[%dma_start3A_103, %dma_start3A_104] : memref<10000x128xf32, #tpu.memory_space<hbm>> -> memref<10000x128xf32, #tpu.memory_space<hbm>>
        %dma_start3A_106 = tpu.memref_slice %arg11[%dma_start3A_95] : memref<2x!tpu.dma_semaphore, #tpu.memory_space<semaphore_mem>> -> memref<1x!tpu.dma_semaphore, #tpu.memory_space<semaphore_mem>>
        %dma_start3A_107 = tpu.memref_squeeze %dma_start3A_106 : memref<1x!tpu.dma_semaphore, #tpu.memory_space<semaphore_mem>> -> memref<!tpu.dma_semaphore, #tpu.memory_space<semaphore_mem>>
        tpu.enqueue_indirect_dma source(%dma_start3A_105 : memref<10000x128xf32, #tpu.memory_space<hbm>>) target(%dma_start3A_99 : memref<128x128xf32, #tpu.memory_space<vmem>>) offsets(%dma_start3A_102 : memref<128xi32, #tpu.memory_space<vmem>>) semaphore(%dma_start3A_107 : memref<!tpu.dma_semaphore, #tpu.memory_space<semaphore_mem>>)
      } else {
      }
    }
    %scan3A_37 = arith.constant 39 : i32
    %lt3A = arith.constant 4 : i32
    %lt3A_38 = arith.cmpi slt, %add3A, %lt3A : i32
    %convert_element_type3A = arith.extui %lt3A_38 : i1 to i32
    %cond3A = arith.constant 0 : i32
    %cond3A_39 = arith.cmpi ne, %convert_element_type3A, %cond3A : i32
    scf.if %cond3A_39 {
      %dma_start3A_41 = arith.constant 78 : i32
      %dma_start3A_42 = arith.constant 0 : i32
      %dma_start3A_43 = arith.constant 0 : i32
      %dma_start3A_44 = arith.constant 0 : i32
      %dma_start3A_45 = arith.constant 0 : i32
      %dma_start3A_46 = tpu.memref_slice %arg9[%dma_start3A_42, %dma_start3A_44, %dma_start3A_45] : memref<2x128x128xf32, #tpu.memory_space<vmem>> -> memref<1x128x128xf32, #tpu.memory_space<vmem>>
      %dma_start3A_47 = tpu.memref_squeeze %dma_start3A_46 : memref<1x128x128xf32, #tpu.memory_space<vmem>> -> memref<128x128xf32, #tpu.memory_space<vmem>>
      %dma_start3A_48 = arith.constant 0 : i32
      %dma_start3A_49 = tpu.memref_slice %arg7[%dma_start3A_41, %dma_start3A_48] : memref<80x128xi32, #tpu.memory_space<vmem>> -> memref<1x128xi32, #tpu.memory_space<vmem>>
      %dma_start3A_50 = tpu.memref_squeeze %dma_start3A_49 : memref<1x128xi32, #tpu.memory_space<vmem>> -> memref<128xi32, #tpu.memory_space<vmem>>
      %dma_start3A_51 = arith.constant 0 : i32
      %dma_start3A_52 = arith.constant 0 : i32
      %dma_start3A_53 = tpu.memref_slice %arg2[%dma_start3A_51, %dma_start3A_52] : memref<10000x128xf32, #tpu.memory_space<hbm>> -> memref<10000x128xf32, #tpu.memory_space<hbm>>
      %dma_start3A_54 = tpu.memref_slice %arg11[%dma_start3A_43] : memref<2x!tpu.dma_semaphore, #tpu.memory_space<semaphore_mem>> -> memref<1x!tpu.dma_semaphore, #tpu.memory_space<semaphore_mem>>
      %dma_start3A_55 = tpu.memref_squeeze %dma_start3A_54 : memref<1x!tpu.dma_semaphore, #tpu.memory_space<semaphore_mem>> -> memref<!tpu.dma_semaphore, #tpu.memory_space<semaphore_mem>>
      tpu.enqueue_indirect_dma source(%dma_start3A_53 : memref<10000x128xf32, #tpu.memory_space<hbm>>) target(%dma_start3A_47 : memref<128x128xf32, #tpu.memory_space<vmem>>) offsets(%dma_start3A_50 : memref<128xi32, #tpu.memory_space<vmem>>) semaphore(%dma_start3A_55 : memref<!tpu.dma_semaphore, #tpu.memory_space<semaphore_mem>>)
      %dma_wait3A = arith.constant 78 : i32
      %dma_wait3A_56 = arith.constant 0 : i32
      %dma_wait3A_57 = arith.constant 0 : i32
      %dma_wait3A_58 = arith.constant 0 : i32
      %dma_wait3A_59 = arith.constant 0 : i32
      %dma_wait3A_60 = tpu.memref_slice %arg9[%dma_wait3A_56, %dma_wait3A_58, %dma_wait3A_59] : memref<2x128x128xf32, #tpu.memory_space<vmem>> -> memref<1x128x128xf32, #tpu.memory_space<vmem>>
      %dma_wait3A_61 = tpu.memref_squeeze %dma_wait3A_60 : memref<1x128x128xf32, #tpu.memory_space<vmem>> -> memref<128x128xf32, #tpu.memory_space<vmem>>
      %dma_wait3A_62 = arith.constant 0 : i32
      %dma_wait3A_63 = tpu.memref_slice %arg7[%dma_wait3A, %dma_wait3A_62] : memref<80x128xi32, #tpu.memory_space<vmem>> -> memref<1x128xi32, #tpu.memory_space<vmem>>
      %dma_wait3A_64 = tpu.memref_squeeze %dma_wait3A_63 : memref<1x128xi32, #tpu.memory_space<vmem>> -> memref<128xi32, #tpu.memory_space<vmem>>
      %dma_wait3A_65 = arith.constant 0 : i32
      %dma_wait3A_66 = arith.constant 0 : i32
      %dma_wait3A_67 = tpu.memref_slice %arg2[%dma_wait3A_65, %dma_wait3A_66] : memref<10000x128xf32, #tpu.memory_space<hbm>> -> memref<10000x128xf32, #tpu.memory_space<hbm>>
      %dma_wait3A_68 = tpu.memref_slice %arg11[%dma_wait3A_57] : memref<2x!tpu.dma_semaphore, #tpu.memory_space<semaphore_mem>> -> memref<1x!tpu.dma_semaphore, #tpu.memory_space<semaphore_mem>>
      %dma_wait3A_69 = tpu.memref_squeeze %dma_wait3A_68 : memref<1x!tpu.dma_semaphore, #tpu.memory_space<semaphore_mem>> -> memref<!tpu.dma_semaphore, #tpu.memory_space<semaphore_mem>>
      tpu.wait_indirect_dma semaphore(%dma_wait3A_69 : memref<!tpu.dma_semaphore, #tpu.memory_space<semaphore_mem>>) src(%dma_wait3A_67 : memref<10000x128xf32, #tpu.memory_space<hbm>>) dst(%dma_wait3A_61 : memref<128x128xf32, #tpu.memory_space<vmem>>)
      %run_scoped3A = arith.constant 0 : i32
      %run_scoped3A_70 = arith.constant 78 : i32
      "tpu.region"() ({
        %run_scoped3A_71 = tpu.sem_alloc : memref<!tpu.dma_semaphore, #tpu.memory_space<semaphore_mem>>
        %dma_start3A_72 = arith.constant 0 : i32
        %dma_start3A_73 = arith.constant 0 : i32
        %dma_start3A_74 = tpu.memref_slice %arg9[%run_scoped3A, %dma_start3A_72, %dma_start3A_73] : memref<2x128x128xf32, #tpu.memory_space<vmem>> -> memref<1x128x128xf32, #tpu.memory_space<vmem>>
        %dma_start3A_75 = tpu.memref_squeeze %dma_start3A_74 : memref<1x128x128xf32, #tpu.memory_space<vmem>> -> memref<128x128xf32, #tpu.memory_space<vmem>>
        %dma_start3A_76 = arith.constant 0 : i32
        %dma_start3A_77 = tpu.memref_slice %arg8[%run_scoped3A_70, %dma_start3A_76] : memref<80x128xi32, #tpu.memory_space<vmem>> -> memref<1x128xi32, #tpu.memory_space<vmem>>
        %dma_start3A_78 = tpu.memref_squeeze %dma_start3A_77 : memref<1x128xi32, #tpu.memory_space<vmem>> -> memref<128xi32, #tpu.memory_space<vmem>>
        %dma_start3A_79 = arith.constant 0 : i32
        %dma_start3A_80 = arith.constant 0 : i32
        %dma_start3A_81 = tpu.memref_slice %arg10[%dma_start3A_79, %dma_start3A_80] : memref<2048x128xf32, #tpu.memory_space<vmem_shared>> -> memref<2048x128xf32, #tpu.memory_space<vmem_shared>>
        tpu.enqueue_indirect_dma source(%dma_start3A_75 : memref<128x128xf32, #tpu.memory_space<vmem>>) target(%dma_start3A_81 : memref<2048x128xf32, #tpu.memory_space<vmem_shared>>) offsets(%dma_start3A_78 : memref<128xi32, #tpu.memory_space<vmem>>) semaphore(%run_scoped3A_71 : memref<!tpu.dma_semaphore, #tpu.memory_space<semaphore_mem>>) {add = true}
        %dma_wait3A_82 = arith.constant 0 : i32
        %dma_wait3A_83 = arith.constant 0 : i32
        %dma_wait3A_84 = tpu.memref_slice %arg9[%run_scoped3A, %dma_wait3A_82, %dma_wait3A_83] : memref<2x128x128xf32, #tpu.memory_space<vmem>> -> memref<1x128x128xf32, #tpu.memory_space<vmem>>
        %dma_wait3A_85 = tpu.memref_squeeze %dma_wait3A_84 : memref<1x128x128xf32, #tpu.memory_space<vmem>> -> memref<128x128xf32, #tpu.memory_space<vmem>>
        %dma_wait3A_86 = arith.constant 0 : i32
        %dma_wait3A_87 = tpu.memref_slice %arg8[%run_scoped3A_70, %dma_wait3A_86] : memref<80x128xi32, #tpu.memory_space<vmem>> -> memref<1x128xi32, #tpu.memory_space<vmem>>
        %dma_wait3A_88 = tpu.memref_squeeze %dma_wait3A_87 : memref<1x128xi32, #tpu.memory_space<vmem>> -> memref<128xi32, #tpu.memory_space<vmem>>
        %dma_wait3A_89 = arith.constant 0 : i32
        %dma_wait3A_90 = arith.constant 0 : i32
        %dma_wait3A_91 = tpu.memref_slice %arg10[%dma_wait3A_89, %dma_wait3A_90] : memref<2048x128xf32, #tpu.memory_space<vmem_shared>> -> memref<2048x128xf32, #tpu.memory_space<vmem_shared>>
        tpu.wait_indirect_dma semaphore(%run_scoped3A_71 : memref<!tpu.dma_semaphore, #tpu.memory_space<semaphore_mem>>) src(%dma_wait3A_85 : memref<128x128xf32, #tpu.memory_space<vmem>>) dst(%dma_wait3A_91 : memref<2048x128xf32, #tpu.memory_space<vmem_shared>>)
        tpu.yield
      }) : () -> ()
    } else {
    }
    %barrier3A_40 = arith.constant 0 : index
    tpu.barrier barrier_id(%barrier3A_40)
    "tpu.region"() ({
      %run_scoped3A = tpu.sem_alloc : memref<!tpu.dma_semaphore, #tpu.memory_space<semaphore_mem>>
      %dma_start3A_41 = arith.constant 0 : i32
      %dma_start3A_42 = tpu.memref_slice %arg6[%arg0, %mul3A_2, %dma_start3A_41] : memref<2x2048x128xf32, #tpu.memory_space<hbm>> -> memref<1x128x128xf32, #tpu.memory_space<hbm>>
      %dma_start3A_43 = tpu.memref_squeeze %dma_start3A_42 : memref<1x128x128xf32, #tpu.memory_space<hbm>> -> memref<128x128xf32, #tpu.memory_space<hbm>>
      %dma_start3A_44 = arith.constant 0 : i32
      %dma_start3A_45 = tpu.memref_slice %arg10[%mul3A_2, %dma_start3A_44] : memref<2048x128xf32, #tpu.memory_space<vmem_shared>> -> memref<128x128xf32, #tpu.memory_space<vmem_shared>>
      tpu.enqueue_dma source(%dma_start3A_45 : memref<128x128xf32, #tpu.memory_space<vmem_shared>>) target(%dma_start3A_43 : memref<128x128xf32, #tpu.memory_space<hbm>>) target_semaphore(%run_scoped3A : memref<!tpu.dma_semaphore, #tpu.memory_space<semaphore_mem>>)
      %dma_wait3A = arith.constant 0 : i32
      %dma_wait3A_46 = tpu.memref_slice %arg6[%arg0, %mul3A_2, %dma_wait3A] : memref<2x2048x128xf32, #tpu.memory_space<hbm>> -> memref<1x128x128xf32, #tpu.memory_space<hbm>>
      %dma_wait3A_47 = tpu.memref_squeeze %dma_wait3A_46 : memref<1x128x128xf32, #tpu.memory_space<hbm>> -> memref<128x128xf32, #tpu.memory_space<hbm>>
      %dma_wait3A_48 = arith.constant 0 : i32
      %dma_wait3A_49 = tpu.memref_slice %arg10[%mul3A_2, %dma_wait3A_48] : memref<2048x128xf32, #tpu.memory_space<vmem_shared>> -> memref<128x128xf32, #tpu.memory_space<vmem_shared>>
      tpu.wait_dma2 semaphore(%run_scoped3A : memref<!tpu.dma_semaphore, #tpu.memory_space<semaphore_mem>>) src(%dma_wait3A_49 : memref<128x128xf32, #tpu.memory_space<vmem_shared>>) dst(%dma_wait3A_47 : memref<128x128xf32, #tpu.memory_space<hbm>>)
      tpu.yield
    }) : () -> ()
    return
  }
}

module attributes {stable_mosaic.version = 14 : i64} {
  func.func @_tc_dense_body(%arg0: memref<2x2048x128xf32, #tpu.memory_space<vmem>>, %arg1: memref<2000x128xf32, #tpu.memory_space<vmem>>, %arg2: memref<128x128xf32, #tpu.memory_space<vmem>>, %arg3: memref<1x128xf32, #tpu.memory_space<vmem>>, %arg4: memref<128x128xf32, #tpu.memory_space<vmem>>, %arg5: memref<1x128xf32, #tpu.memory_space<vmem>>, %arg6: memref<3x128x128xf32, #tpu.memory_space<vmem>>, %arg7: memref<3x1x128xf32, #tpu.memory_space<vmem>>, %arg8: memref<1x128xf32, #tpu.memory_space<vmem>>, %arg9: memref<1x128xf32, #tpu.memory_space<vmem>>, %arg10: memref<2000x128xf32, #tpu.memory_space<vmem>>) attributes {dimension_semantics = [], scalar_prefetch = 0 : i64, scratch_operands = 0 : i64, tpu.core_type = #tpu.core_type<tc>} {
    %get3A = arith.constant 0 : index
    %get3A_0 = arith.constant 0 : index
    %get3A_1 = arith.constant 0 : index
    %get3A_2 = vector.load %arg0[%get3A, %get3A_0, %get3A_1] : memref<2x2048x128xf32, #tpu.memory_space<vmem>>, vector<1x2000x128xf32>
    %get3A_3 = vector.shape_cast %get3A_2 : vector<1x2000x128xf32> to vector<2000x128xf32>
    %get3A_4 = arith.constant 1 : index
    %get3A_5 = arith.constant 0 : index
    %get3A_6 = arith.constant 0 : index
    %get3A_7 = vector.load %arg0[%get3A_4, %get3A_5, %get3A_6] : memref<2x2048x128xf32, #tpu.memory_space<vmem>>, vector<1x2000x128xf32>
    %get3A_8 = vector.shape_cast %get3A_7 : vector<1x2000x128xf32> to vector<2000x128xf32>
    %add3A = arith.addf %get3A_3, %get3A_8 : vector<2000x128xf32>
    %slice3A = vector.extract_strided_slice %add3A {offsets = [0, 127], sizes = [2000, 1], strides = [1, 1]} : vector<2000x128xf32> to vector<2000x1xf32>
    %mul3A = arith.constant 9.765625E-4 : f32
    %mul3A_9 = vector.broadcast %mul3A : f32 to vector<2000x1xf32>
    %mul3A_10 = arith.mulf %slice3A, %mul3A_9 : vector<2000x1xf32>
    %round3A = math.roundeven %mul3A_10 : vector<2000x1xf32>
    %iota3A = tpu.iota {dimensions = array<i32: 1>} : vector<1x128xi32>
    %eq3A = arith.constant 127 : i32
    %eq3A_11 = vector.broadcast %eq3A : i32 to vector<1x128xi32>
    %eq3A_12 = arith.cmpi eq, %iota3A, %eq3A_11 : vector<1x128xi32>
    %mul3A_13 = arith.constant 1.024000e+03 : f32
    %mul3A_14 = vector.broadcast %mul3A_13 : f32 to vector<2000x1xf32>
    %mul3A_15 = arith.mulf %mul3A_14, %round3A : vector<2000x1xf32>
    %jit3A = arith.constant 0.000000e+00 : f32
    %broadcast_in_dim3A = vector.shape_cast %eq3A_12 : vector<1x128xi1> to vector<1x128xi1>
    %broadcast_in_dim3A_16 = vector.broadcast %broadcast_in_dim3A : vector<1x128xi1> to vector<2000x128xi1>
    %broadcast_in_dim3A_17 = vector.shape_cast %mul3A_15 : vector<2000x1xf32> to vector<2000x1xf32>
    %broadcast_in_dim3A_18 = vector.broadcast %broadcast_in_dim3A_17 : vector<2000x1xf32> to vector<2000x128xf32>
    %broadcast_in_dim3A_19 = vector.broadcast %jit3A : f32 to vector<2000x128xf32>
    %select_n3A = arith.select %broadcast_in_dim3A_16, %broadcast_in_dim3A_18, %broadcast_in_dim3A_19 : vector<2000x128xi1>, vector<2000x128xf32>
    %sub3A = arith.subf %add3A, %select_n3A : vector<2000x128xf32>
    %gt3A = arith.constant 0.000000e+00 : f32
    %gt3A_20 = vector.broadcast %gt3A : f32 to vector<2000x1xf32>
    %gt3A_21 = arith.cmpf ogt, %round3A, %gt3A_20 : vector<2000x1xf32>
    %rsqrt3A = math.rsqrt %round3A : vector<2000x1xf32>
    %jit3A_22 = arith.constant 0.000000e+00 : f32
    %broadcast_in_dim3A_23 = vector.broadcast %jit3A_22 : f32 to vector<2000x1xf32>
    %select_n3A_24 = arith.select %gt3A_21, %rsqrt3A, %broadcast_in_dim3A_23 : vector<2000x1xi1>, vector<2000x1xf32>
    %sqrt3A = math.sqrt %round3A : vector<2000x1xf32>
    %mul3A_25 = vector.broadcast %select_n3A_24 : vector<2000x1xf32> to vector<2000x128xf32>
    %mul3A_26 = arith.mulf %mul3A_25, %sub3A : vector<2000x128xf32>
    %get3A_27 = arith.constant 0 : index
    %get3A_28 = arith.constant 0 : index
    %get3A_29 = vector.load %arg4[%get3A_27, %get3A_28] : memref<128x128xf32, #tpu.memory_space<vmem>>, vector<128x128xf32>
    %dot_general3A = arith.constant dense<0.000000e+00> : vector<2000x128xf32>
    %dot_general3A_30 = tpu.matmul %mul3A_26, %get3A_29, %dot_general3A {dimension_numbers = #tpu.dot_dimension_numbers<[1], [1], [0], [0], [0, 0, 1, 0], [], []>, transpose_lhs_hint = false} : vector<2000x128xf32>, vector<128x128xf32>, vector<2000x128xf32> -> vector<2000x128xf32>
    %get3A_31 = arith.constant 0 : index
    %get3A_32 = arith.constant 0 : index
    %get3A_33 = vector.load %arg5[%get3A_31, %get3A_32] : memref<1x128xf32, #tpu.memory_space<vmem>>, vector<1x128xf32>
    %mul3A_34 = vector.broadcast %sqrt3A : vector<2000x1xf32> to vector<2000x128xf32>
    %mul3A_35 = vector.broadcast %get3A_33 : vector<1x128xf32> to vector<2000x128xf32>
    %mul3A_36 = arith.mulf %mul3A_34, %mul3A_35 : vector<2000x128xf32>
    %add3A_37 = arith.addf %dot_general3A_30, %mul3A_36 : vector<2000x128xf32>
    %get3A_38 = arith.constant 0 : index
    %get3A_39 = arith.constant 0 : index
    %get3A_40 = vector.load %arg1[%get3A_38, %get3A_39] : memref<2000x128xf32, #tpu.memory_space<vmem>>, vector<2000x128xf32>
    %get3A_41 = arith.constant 0 : index
    %get3A_42 = arith.constant 0 : index
    %get3A_43 = vector.load %arg2[%get3A_41, %get3A_42] : memref<128x128xf32, #tpu.memory_space<vmem>>, vector<128x128xf32>
    %dot_general3A_44 = arith.constant dense<0.000000e+00> : vector<2000x128xf32>
    %dot_general3A_45 = tpu.matmul %get3A_40, %get3A_43, %dot_general3A_44 {dimension_numbers = #tpu.dot_dimension_numbers<[1], [1], [0], [0], [0, 0, 1, 0], [], []>, transpose_lhs_hint = false} : vector<2000x128xf32>, vector<128x128xf32>, vector<2000x128xf32> -> vector<2000x128xf32>
    %get3A_46 = arith.constant 0 : index
    %get3A_47 = arith.constant 0 : index
    %get3A_48 = vector.load %arg3[%get3A_46, %get3A_47] : memref<1x128xf32, #tpu.memory_space<vmem>>, vector<1x128xf32>
    %add3A_49 = vector.broadcast %get3A_48 : vector<1x128xf32> to vector<2000x128xf32>
    %add3A_50 = arith.addf %dot_general3A_45, %add3A_49 : vector<2000x128xf32>
    %get3A_51 = arith.constant 0 : index
    %get3A_52 = arith.constant 0 : index
    %get3A_53 = arith.constant 0 : index
    %get3A_54 = vector.load %arg6[%get3A_51, %get3A_52, %get3A_53] : memref<3x128x128xf32, #tpu.memory_space<vmem>>, vector<1x128x128xf32>
    %get3A_55 = vector.shape_cast %get3A_54 : vector<1x128x128xf32> to vector<128x128xf32>
    %dot_general3A_56 = arith.constant dense<0.000000e+00> : vector<2000x128xf32>
    %dot_general3A_57 = tpu.matmul %add3A_37, %get3A_55, %dot_general3A_56 {dimension_numbers = #tpu.dot_dimension_numbers<[1], [1], [0], [0], [0, 0, 1, 0], [], []>, transpose_lhs_hint = false} : vector<2000x128xf32>, vector<128x128xf32>, vector<2000x128xf32> -> vector<2000x128xf32>
    %get3A_58 = arith.constant 0 : index
    %get3A_59 = arith.constant 0 : index
    %get3A_60 = arith.constant 0 : index
    %get3A_61 = vector.load %arg7[%get3A_58, %get3A_59, %get3A_60] : memref<3x1x128xf32, #tpu.memory_space<vmem>>, vector<1x1x128xf32>
    %get3A_62 = vector.shape_cast %get3A_61 : vector<1x1x128xf32> to vector<1x128xf32>
    %add3A_63 = vector.broadcast %get3A_62 : vector<1x128xf32> to vector<2000x128xf32>
    %add3A_64 = arith.addf %dot_general3A_57, %add3A_63 : vector<2000x128xf32>
    %mul3A_65 = arith.constant 1.000000e-01 : f32
    %mul3A_66 = vector.broadcast %mul3A_65 : f32 to vector<2000x128xf32>
    %mul3A_67 = arith.mulf %mul3A_66, %add3A_50 : vector<2000x128xf32>
    %add3A_68 = arith.addf %add3A_64, %mul3A_67 : vector<2000x128xf32>
    %logistic3A = arith.negf %add3A_68 : vector<2000x128xf32>
    %logistic3A_69 = math.exp %logistic3A : vector<2000x128xf32>
    %logistic3A_70 = arith.constant 1.000000e+00 : f32
    %logistic3A_71 = vector.broadcast %logistic3A_70 : f32 to vector<2000x128xf32>
    %logistic3A_72 = arith.addf %logistic3A_71, %logistic3A_69 : vector<2000x128xf32>
    %logistic3A_73 = arith.divf %logistic3A_71, %logistic3A_72 : vector<2000x128xf32>
    %mul3A_74 = arith.mulf %add3A_68, %logistic3A_73 : vector<2000x128xf32>
    %reduce_sum3A = arith.constant dense<0.000000e+00> : vector<2000xf32>
    %reduce_sum3A_75 = vector.multi_reduction <add>, %mul3A_74, %reduce_sum3A [1] : vector<2000x128xf32> to vector<2000xf32>
    %broadcast_in_dim3A_76 = vector.shape_cast %reduce_sum3A_75 : vector<2000xf32> to vector<2000x1xf32>
    %div3A = arith.constant 1.280000e+02 : f32
    %div3A_77 = vector.broadcast %div3A : f32 to vector<2000x1xf32>
    %div3A_78 = arith.divf %broadcast_in_dim3A_76, %div3A_77 : vector<2000x1xf32>
    %sub3A_79 = vector.broadcast %div3A_78 : vector<2000x1xf32> to vector<2000x128xf32>
    %sub3A_80 = arith.subf %mul3A_74, %sub3A_79 : vector<2000x128xf32>
    %integer_pow3A = arith.mulf %sub3A_80, %sub3A_80 : vector<2000x128xf32>
    %reduce_sum3A_81 = arith.constant dense<0.000000e+00> : vector<2000xf32>
    %reduce_sum3A_82 = vector.multi_reduction <add>, %integer_pow3A, %reduce_sum3A_81 [1] : vector<2000x128xf32> to vector<2000xf32>
    %broadcast_in_dim3A_83 = vector.shape_cast %reduce_sum3A_82 : vector<2000xf32> to vector<2000x1xf32>
    %div3A_84 = arith.constant 1.280000e+02 : f32
    %div3A_85 = vector.broadcast %div3A_84 : f32 to vector<2000x1xf32>
    %div3A_86 = arith.divf %broadcast_in_dim3A_83, %div3A_85 : vector<2000x1xf32>
    %sub3A_87 = vector.broadcast %div3A_78 : vector<2000x1xf32> to vector<2000x128xf32>
    %sub3A_88 = arith.subf %mul3A_74, %sub3A_87 : vector<2000x128xf32>
    %add3A_89 = arith.constant 9.99999974E-6 : f32
    %add3A_90 = vector.broadcast %add3A_89 : f32 to vector<2000x1xf32>
    %add3A_91 = arith.addf %div3A_86, %add3A_90 : vector<2000x1xf32>
    %rsqrt3A_92 = math.rsqrt %add3A_91 : vector<2000x1xf32>
    %mul3A_93 = vector.broadcast %rsqrt3A_92 : vector<2000x1xf32> to vector<2000x128xf32>
    %mul3A_94 = arith.mulf %sub3A_88, %mul3A_93 : vector<2000x128xf32>
    %get3A_95 = arith.constant 0 : index
    %get3A_96 = arith.constant 0 : index
    %get3A_97 = vector.load %arg8[%get3A_95, %get3A_96] : memref<1x128xf32, #tpu.memory_space<vmem>>, vector<1x128xf32>
    %mul3A_98 = vector.broadcast %get3A_97 : vector<1x128xf32> to vector<2000x128xf32>
    %mul3A_99 = arith.mulf %mul3A_94, %mul3A_98 : vector<2000x128xf32>
    %get3A_100 = arith.constant 0 : index
    %get3A_101 = arith.constant 0 : index
    %get3A_102 = vector.load %arg9[%get3A_100, %get3A_101] : memref<1x128xf32, #tpu.memory_space<vmem>>, vector<1x128xf32>
    %add3A_103 = vector.broadcast %get3A_102 : vector<1x128xf32> to vector<2000x128xf32>
    %add3A_104 = arith.addf %mul3A_99, %add3A_103 : vector<2000x128xf32>
    %get3A_105 = arith.constant 1 : index
    %get3A_106 = arith.constant 0 : index
    %get3A_107 = arith.constant 0 : index
    %get3A_108 = vector.load %arg6[%get3A_105, %get3A_106, %get3A_107] : memref<3x128x128xf32, #tpu.memory_space<vmem>>, vector<1x128x128xf32>
    %get3A_109 = vector.shape_cast %get3A_108 : vector<1x128x128xf32> to vector<128x128xf32>
    %dot_general3A_110 = arith.constant dense<0.000000e+00> : vector<2000x128xf32>
    %dot_general3A_111 = tpu.matmul %add3A_37, %get3A_109, %dot_general3A_110 {dimension_numbers = #tpu.dot_dimension_numbers<[1], [1], [0], [0], [0, 0, 1, 0], [], []>, transpose_lhs_hint = false} : vector<2000x128xf32>, vector<128x128xf32>, vector<2000x128xf32> -> vector<2000x128xf32>
    %get3A_112 = arith.constant 1 : index
    %get3A_113 = arith.constant 0 : index
    %get3A_114 = arith.constant 0 : index
    %get3A_115 = vector.load %arg7[%get3A_112, %get3A_113, %get3A_114] : memref<3x1x128xf32, #tpu.memory_space<vmem>>, vector<1x1x128xf32>
    %get3A_116 = vector.shape_cast %get3A_115 : vector<1x1x128xf32> to vector<1x128xf32>
    %add3A_117 = vector.broadcast %get3A_116 : vector<1x128xf32> to vector<2000x128xf32>
    %add3A_118 = arith.addf %dot_general3A_111, %add3A_117 : vector<2000x128xf32>
    %mul3A_119 = arith.constant 1.000000e-01 : f32
    %mul3A_120 = vector.broadcast %mul3A_119 : f32 to vector<2000x128xf32>
    %mul3A_121 = arith.mulf %mul3A_120, %add3A_104 : vector<2000x128xf32>
    %add3A_122 = arith.addf %add3A_118, %mul3A_121 : vector<2000x128xf32>
    %logistic3A_123 = arith.negf %add3A_122 : vector<2000x128xf32>
    %logistic3A_124 = math.exp %logistic3A_123 : vector<2000x128xf32>
    %logistic3A_125 = arith.constant 1.000000e+00 : f32
    %logistic3A_126 = vector.broadcast %logistic3A_125 : f32 to vector<2000x128xf32>
    %logistic3A_127 = arith.addf %logistic3A_126, %logistic3A_124 : vector<2000x128xf32>
    %logistic3A_128 = arith.divf %logistic3A_126, %logistic3A_127 : vector<2000x128xf32>
    %mul3A_129 = arith.mulf %add3A_122, %logistic3A_128 : vector<2000x128xf32>
    %reduce_sum3A_130 = arith.constant dense<0.000000e+00> : vector<2000xf32>
    %reduce_sum3A_131 = vector.multi_reduction <add>, %mul3A_129, %reduce_sum3A_130 [1] : vector<2000x128xf32> to vector<2000xf32>
    %broadcast_in_dim3A_132 = vector.shape_cast %reduce_sum3A_131 : vector<2000xf32> to vector<2000x1xf32>
    %div3A_133 = arith.constant 1.280000e+02 : f32
    %div3A_134 = vector.broadcast %div3A_133 : f32 to vector<2000x1xf32>
    %div3A_135 = arith.divf %broadcast_in_dim3A_132, %div3A_134 : vector<2000x1xf32>
    %sub3A_136 = vector.broadcast %div3A_135 : vector<2000x1xf32> to vector<2000x128xf32>
    %sub3A_137 = arith.subf %mul3A_129, %sub3A_136 : vector<2000x128xf32>
    %integer_pow3A_138 = arith.mulf %sub3A_137, %sub3A_137 : vector<2000x128xf32>
    %reduce_sum3A_139 = arith.constant dense<0.000000e+00> : vector<2000xf32>
    %reduce_sum3A_140 = vector.multi_reduction <add>, %integer_pow3A_138, %reduce_sum3A_139 [1] : vector<2000x128xf32> to vector<2000xf32>
    %broadcast_in_dim3A_141 = vector.shape_cast %reduce_sum3A_140 : vector<2000xf32> to vector<2000x1xf32>
    %div3A_142 = arith.constant 1.280000e+02 : f32
    %div3A_143 = vector.broadcast %div3A_142 : f32 to vector<2000x1xf32>
    %div3A_144 = arith.divf %broadcast_in_dim3A_141, %div3A_143 : vector<2000x1xf32>
    %sub3A_145 = vector.broadcast %div3A_135 : vector<2000x1xf32> to vector<2000x128xf32>
    %sub3A_146 = arith.subf %mul3A_129, %sub3A_145 : vector<2000x128xf32>
    %add3A_147 = arith.constant 9.99999974E-6 : f32
    %add3A_148 = vector.broadcast %add3A_147 : f32 to vector<2000x1xf32>
    %add3A_149 = arith.addf %div3A_144, %add3A_148 : vector<2000x1xf32>
    %rsqrt3A_150 = math.rsqrt %add3A_149 : vector<2000x1xf32>
    %mul3A_151 = vector.broadcast %rsqrt3A_150 : vector<2000x1xf32> to vector<2000x128xf32>
    %mul3A_152 = arith.mulf %sub3A_146, %mul3A_151 : vector<2000x128xf32>
    %get3A_153 = arith.constant 0 : index
    %get3A_154 = arith.constant 0 : index
    %get3A_155 = vector.load %arg8[%get3A_153, %get3A_154] : memref<1x128xf32, #tpu.memory_space<vmem>>, vector<1x128xf32>
    %mul3A_156 = vector.broadcast %get3A_155 : vector<1x128xf32> to vector<2000x128xf32>
    %mul3A_157 = arith.mulf %mul3A_152, %mul3A_156 : vector<2000x128xf32>
    %get3A_158 = arith.constant 0 : index
    %get3A_159 = arith.constant 0 : index
    %get3A_160 = vector.load %arg9[%get3A_158, %get3A_159] : memref<1x128xf32, #tpu.memory_space<vmem>>, vector<1x128xf32>
    %add3A_161 = vector.broadcast %get3A_160 : vector<1x128xf32> to vector<2000x128xf32>
    %add3A_162 = arith.addf %mul3A_157, %add3A_161 : vector<2000x128xf32>
    %get3A_163 = arith.constant 2 : index
    %get3A_164 = arith.constant 0 : index
    %get3A_165 = arith.constant 0 : index
    %get3A_166 = vector.load %arg6[%get3A_163, %get3A_164, %get3A_165] : memref<3x128x128xf32, #tpu.memory_space<vmem>>, vector<1x128x128xf32>
    %get3A_167 = vector.shape_cast %get3A_166 : vector<1x128x128xf32> to vector<128x128xf32>
    %dot_general3A_168 = arith.constant dense<0.000000e+00> : vector<2000x128xf32>
    %dot_general3A_169 = tpu.matmul %add3A_37, %get3A_167, %dot_general3A_168 {dimension_numbers = #tpu.dot_dimension_numbers<[1], [1], [0], [0], [0, 0, 1, 0], [], []>, transpose_lhs_hint = false} : vector<2000x128xf32>, vector<128x128xf32>, vector<2000x128xf32> -> vector<2000x128xf32>
    %get3A_170 = arith.constant 2 : index
    %get3A_171 = arith.constant 0 : index
    %get3A_172 = arith.constant 0 : index
    %get3A_173 = vector.load %arg7[%get3A_170, %get3A_171, %get3A_172] : memref<3x1x128xf32, #tpu.memory_space<vmem>>, vector<1x1x128xf32>
    %get3A_174 = vector.shape_cast %get3A_173 : vector<1x1x128xf32> to vector<1x128xf32>
    %add3A_175 = vector.broadcast %get3A_174 : vector<1x128xf32> to vector<2000x128xf32>
    %add3A_176 = arith.addf %dot_general3A_169, %add3A_175 : vector<2000x128xf32>
    %mul3A_177 = arith.constant 1.000000e-01 : f32
    %mul3A_178 = vector.broadcast %mul3A_177 : f32 to vector<2000x128xf32>
    %mul3A_179 = arith.mulf %mul3A_178, %add3A_162 : vector<2000x128xf32>
    %add3A_180 = arith.addf %add3A_176, %mul3A_179 : vector<2000x128xf32>
    %logistic3A_181 = arith.negf %add3A_180 : vector<2000x128xf32>
    %logistic3A_182 = math.exp %logistic3A_181 : vector<2000x128xf32>
    %logistic3A_183 = arith.constant 1.000000e+00 : f32
    %logistic3A_184 = vector.broadcast %logistic3A_183 : f32 to vector<2000x128xf32>
    %logistic3A_185 = arith.addf %logistic3A_184, %logistic3A_182 : vector<2000x128xf32>
    %logistic3A_186 = arith.divf %logistic3A_184, %logistic3A_185 : vector<2000x128xf32>
    %mul3A_187 = arith.mulf %add3A_180, %logistic3A_186 : vector<2000x128xf32>
    %reduce_sum3A_188 = arith.constant dense<0.000000e+00> : vector<2000xf32>
    %reduce_sum3A_189 = vector.multi_reduction <add>, %mul3A_187, %reduce_sum3A_188 [1] : vector<2000x128xf32> to vector<2000xf32>
    %broadcast_in_dim3A_190 = vector.shape_cast %reduce_sum3A_189 : vector<2000xf32> to vector<2000x1xf32>
    %div3A_191 = arith.constant 1.280000e+02 : f32
    %div3A_192 = vector.broadcast %div3A_191 : f32 to vector<2000x1xf32>
    %div3A_193 = arith.divf %broadcast_in_dim3A_190, %div3A_192 : vector<2000x1xf32>
    %sub3A_194 = vector.broadcast %div3A_193 : vector<2000x1xf32> to vector<2000x128xf32>
    %sub3A_195 = arith.subf %mul3A_187, %sub3A_194 : vector<2000x128xf32>
    %integer_pow3A_196 = arith.mulf %sub3A_195, %sub3A_195 : vector<2000x128xf32>
    %reduce_sum3A_197 = arith.constant dense<0.000000e+00> : vector<2000xf32>
    %reduce_sum3A_198 = vector.multi_reduction <add>, %integer_pow3A_196, %reduce_sum3A_197 [1] : vector<2000x128xf32> to vector<2000xf32>
    %broadcast_in_dim3A_199 = vector.shape_cast %reduce_sum3A_198 : vector<2000xf32> to vector<2000x1xf32>
    %div3A_200 = arith.constant 1.280000e+02 : f32
    %div3A_201 = vector.broadcast %div3A_200 : f32 to vector<2000x1xf32>
    %div3A_202 = arith.divf %broadcast_in_dim3A_199, %div3A_201 : vector<2000x1xf32>
    %sub3A_203 = vector.broadcast %div3A_193 : vector<2000x1xf32> to vector<2000x128xf32>
    %sub3A_204 = arith.subf %mul3A_187, %sub3A_203 : vector<2000x128xf32>
    %add3A_205 = arith.constant 9.99999974E-6 : f32
    %add3A_206 = vector.broadcast %add3A_205 : f32 to vector<2000x1xf32>
    %add3A_207 = arith.addf %div3A_202, %add3A_206 : vector<2000x1xf32>
    %rsqrt3A_208 = math.rsqrt %add3A_207 : vector<2000x1xf32>
    %mul3A_209 = vector.broadcast %rsqrt3A_208 : vector<2000x1xf32> to vector<2000x128xf32>
    %mul3A_210 = arith.mulf %sub3A_204, %mul3A_209 : vector<2000x128xf32>
    %get3A_211 = arith.constant 0 : index
    %get3A_212 = arith.constant 0 : index
    %get3A_213 = vector.load %arg8[%get3A_211, %get3A_212] : memref<1x128xf32, #tpu.memory_space<vmem>>, vector<1x128xf32>
    %mul3A_214 = vector.broadcast %get3A_213 : vector<1x128xf32> to vector<2000x128xf32>
    %mul3A_215 = arith.mulf %mul3A_210, %mul3A_214 : vector<2000x128xf32>
    %get3A_216 = arith.constant 0 : index
    %get3A_217 = arith.constant 0 : index
    %get3A_218 = vector.load %arg9[%get3A_216, %get3A_217] : memref<1x128xf32, #tpu.memory_space<vmem>>, vector<1x128xf32>
    %add3A_219 = vector.broadcast %get3A_218 : vector<1x128xf32> to vector<2000x128xf32>
    %add3A_220 = arith.addf %mul3A_215, %add3A_219 : vector<2000x128xf32>
    %swap3A = arith.constant 0 : index
    %swap3A_221 = arith.constant 0 : index
    %swap3A_222 = vector.load %arg10[%swap3A, %swap3A_221] : memref<2000x128xf32, #tpu.memory_space<vmem>>, vector<2000x128xf32>
    tpu.vector_store %arg10[%swap3A, %swap3A_221], %add3A_220 {strides = array<i32>} : memref<2000x128xf32, #tpu.memory_space<vmem>>, vector<2000x128xf32>,
    return
  }
}

</mosaic_0001>

<sc_bundles>
// kernel: kernel.4.cloned.1.call-start
scs
__scs_entry_jumppad:
0x0: {  	(pc) =	sbr.rel $0x88, $3  }
0x1: {  	(tag) =	ssettag $0x0;
	lr =	simm.s32 $0x1  }
0x2: {  	[smem:$0x3F96] =	sst lr;
	_ =	strace $0xD0000000  }
0x3: {  	_ = 	snop  }
0x4: {  	_ = 	snop  }
0x5: {  	_ = 	snop  }
0x6: {  	_ = 	snop  }
0x7: {  	_ = 	snop  }
__scs_overlays_trampoline_lowered:
0x8: {  	[smem:$0x3FA5] =	sst s0  }
0x9: {  	[smem:$0x3FA6] =	sst s1  }
0xa: {  	[smem:$0x3FA7] =	sst s2  }
0xb: {  	[smem:$0x3FA8] =	sst s3  }
0xc: {  	[smem:$0x3FA9] =	sst s4  }
0xd: {  	[smem:$0x3FAA] =	sst s5  }
0xe: {  	[smem:$0x3FAB] =	sst s6  }
0xf: {  	[smem:$0x3FAC] =	sst s7  }
0x10: {  	[smem:$0x3FAD] =	sst s8  }
0x11: {  	[smem:$0x3FAE] =	sst s9;
	s0 =	simm.s32 @!p0 $0x0  }
0x12: {  	s1 =	sld [smem:$0x3F94];
	s0 =	simm.s32 @p0 $0x1  }
0x13: {  	[smem:$0x3FAF] =	sst s0;
	s0 =	simm.s32 @!p1 $0x0  }
0x14: {  	s2 =	sld [smem:$0x3F93];
	s0 =	simm.s32 @p1 $0x1  }
0x15: {  	[smem:$0x3FB0] =	sst s0;
	s0 =	simm.s32 @!p2 $0x0  }
0x16: {  	s3 =	sld [smem:$0x3FDB];
	s0 =	simm.s32 @p2 $0x1  }
0x17: {  	s4 =	simm.s32 $0x1BF5;
	[smem:$0x3FB2] =	sst s0  }
0x18: {  	s0 =	sld [smem:$0x3F95];
	_ =	swait.ge [sflag:s4], $0x0  }
0x19: {  	s7 =	sld [smem:$0x3F96]  }
0x1a: {  	s8 =	sadd.s32 $0xFFFFE003, lr  }
0x1b: {  	s9 =	sadd.s32 $0xFFFFFEF7, lr;
	s5 =	simm.s32 $0xFFFFFFFF;
	p2 =	slt.u32 s8, $0xFFFFF086  }
0x1c: {  	p1 =	slt.u32 s9, $0xF7A;
	s5 =	simm.s32 @!p2 $0x0  }
0x1d: {  	s5 =	simm.s32 @p1 $0x1;
	p0 =	seq.s32 s7, s2  }
0x1e: {  	s7 =	smul.u32 @!p0 $0xF7A, s2;
	p2 =	seq.s32 @!p0 s5, $0x0  }
0x1f: {  	s9 =	smul.u32 $0xF7A, s1;
	s8 =	simm.s32 @!p0 $0x1BF5;
	p2 =	por !p2, p0  }
0x20: {  	[sflag:s8] =	ssyncset.s32 @!p0 $0xFFFFF086;
	s6 =	sadd.s32 @!p0 s3, s7;
	s7 =	simm.s32 @!p0 $0x108  }
0x21: {  	s3 =	sadd.s32 s3, s9;
	s6 =	sadd.s32 @!p0 $0x88, s6;
	s7 =	simm.s32 @p2 $0x1082  }
0x22: {  	[simem:s7], [sflag:s8] =	dma.local @!p0 [hbm:s6], $0xF7A  }
0x23: {  	s9 =	sor.u32 $0xD0000000, s2;
	s6 =	simm.s32 $0x108;
	_ =	swait.ge @!p0 [sflag:s8], $0x0  }
0x24: {  	s3 =	sadd.s32 $0x88, s3;
	s6 =	simm.s32 @!p1 $0x1082;
	[sflag:s4] =	ssyncset.s32 $0xFFFFF086  }
0x25: {  	[simem:s6], [sflag:s4] =	dma.local [hbm:s3], $0xF7A  }
0x26: {  	[smem:$0x3F96] =	sst s1;
	(tag) =	ssettag s2;
	_ =	strace s9  }
0x27: {  	s1 =	sld [smem:$0x3FA6]  }
0x28: {  	s2 =	sld [smem:$0x3FA7]  }
0x29: {  	s4 =	sld [smem:$0x3FA9]  }
0x2a: {  	p0 =	seq.s32 s5, $0x0;
	s5 =	sld [smem:$0x3FAA]  }
0x2b: {  	s6 =	sld [smem:$0x3FAB]  }
0x2c: {  	s7 =	sld [smem:$0x3FAC]  }
0x2d: {  	s3 =	simm.s32 $0x108;
	s8 =	sld [smem:$0x3FAD]  }
0x2e: {  	s3 =	simm.s32 @!p0 $0x1082;
	s9 =	sld [smem:$0x3FAE]  }
0x2f: {  	lr =	sadd.s32 s0, s3;
	s0 =	sld [smem:$0x3FA5]  }
0x30: {  	s3 =	sld [smem:$0x3FA8]  }
0x31: {  	[smem:$0x3FB1] =	sst s10  }
0x32: {  	s10 =	sld [smem:$0x3FAF];
	_ =	sdelay $0x3  }
0x33: {  	p0 =	seq.s32 s10, $0x1;
	s10 =	sld [smem:$0x3FB1];
	_ =	sdelay $0x3  }
0x34: {  	[smem:$0x3FB1] =	sst s10  }
0x35: {  	s10 =	sld [smem:$0x3FB0];
	_ =	sdelay $0x3  }
0x36: {  	p1 =	seq.s32 s10, $0x1;
	s10 =	sld [smem:$0x3FB1];
	_ =	sdelay $0x3  }
0x37: {  	[smem:$0x3FB1] =	sst s10  }
0x38: {  	s10 =	sld [smem:$0x3FB2]  }
0x39: {  	_ = 	snop;
	(pc) =	sbr.ind lr, $3  }
0x3a: {  	_ = 	snop  }
0x3b: {  	_ = 	snop  }
0x3c: {  	p2 =	seq.s32 s10, $0x1;
	s10 =	sld [smem:$0x3FB1]  }
0x3d: {  	_ =	shalt  }
0x3e: {  	_ =	shalt  }
0x3f: {  	_ =	shalt  }
0x40: {  	_ =	shalt  }
0x41: {  	_ =	shalt  }
0x42: {  	_ =	shalt  }
0x43: {  	_ =	shalt  }
0x44: {  	_ =	shalt  }
0x45: {  	_ =	shalt  }
0x46: {  	_ =	shalt  }
0x47: {  	_ =	shalt  }
0x48: {  	_ =	shalt  }
0x49: {  	_ =	shalt  }
0x4a: {  	_ =	shalt  }
0x4b: {  	_ =	shalt  }
0x4c: {  	_ =	shalt  }
0x4d: {  	_ =	shalt  }
0x4e: {  	_ =	shalt  }
0x4f: {  	_ =	shalt  }
0x50: {  	_ =	shalt  }
0x51: {  	_ =	shalt  }
0x52: {  	_ =	shalt  }
0x53: {  	_ =	shalt  }
0x54: {  	_ =	shalt  }
0x55: {  	_ =	shalt  }
0x56: {  	_ =	shalt  }
0x57: {  	_ =	shalt  }
0x58: {  	_ =	shalt  }
0x59: {  	_ =	shalt  }
0x5a: {  	_ =	shalt  }
0x5b: {  	_ =	shalt  }
0x5c: {  	_ =	shalt  }
0x5d: {  	_ =	shalt  }
0x5e: {  	_ =	shalt  }
0x5f: {  	_ =	shalt  }
0x60: {  	_ =	shalt  }
0x61: {  	_ =	shalt  }
0x62: {  	_ =	shalt  }
0x63: {  	_ =	shalt  }
0x64: {  	_ =	shalt  }
0x65: {  	_ =	shalt  }
0x66: {  	_ =	shalt  }
0x67: {  	_ =	shalt  }
0x68: {  	_ =	shalt  }
0x69: {  	_ =	shalt  }
0x6a: {  	_ =	shalt  }
0x6b: {  	_ =	shalt  }
0x6c: {  	_ =	shalt  }
0x6d: {  	_ =	shalt  }
0x6e: {  	_ =	shalt  }
0x6f: {  	_ =	shalt  }
0x70: {  	_ =	shalt  }
0x71: {  	_ =	shalt  }
0x72: {  	_ =	shalt  }
0x73: {  	_ =	shalt  }
0x74: {  	_ =	shalt  }
0x75: {  	_ =	shalt  }
0x76: {  	_ =	shalt  }
0x77: {  	_ =	shalt  }
0x78: {  	_ =	shalt  }
0x79: {  	_ =	shalt  }
0x7a: {  	_ =	shalt  }
0x7b: {  	_ =	shalt  }
0x7c: {  	_ =	shalt  }
0x7d: {  	_ =	shalt  }
0x7e: {  	_ =	shalt  }
0x7f: {  	_ =	shalt  }
0x80: {  	_ =	shalt  }
0x81: {  	_ =	shalt  }
0x82: {  	_ =	shalt  }
0x83: {  	_ =	shalt  }
0x84: {  	_ =	shalt  }
0x85: {  	_ =	shalt  }
0x86: {  	_ =	shalt  }
0x87: {  	_ =	shalt  }
.Lfunc_end0:
.L_simem_size_0:
called_computation_lowered:
.L_overlay_start_0:
0x88: {  	s2 =	sld [smem:$0x3FD9]  }
0x89: {  	s3 =	sld [smem:$0x3FFE];
	_ =	sdelay $0x1  }
0x8a: {  	s1 =	srdreg.scid  }
0x8b: {  	s0 =	sand.u32 $0x1, s1  }
0x8c: {  	s16 =	sshll.u32 s0, $0xA;
	s2 =	sadd.s32 s3, s2  }
0x8d: {  	s2 =	sadd.s32 s2, s16  }
0x8e: {  	[smem:$0x3FBD] =	sst s2  }
0x8f: {  	_ = 	snop  }
0x90: {  	(tm) =	ssettm $0x1  }
0x91: {  	s17 =	sld [smem:$0x3FFB];
	_ =	sdelay $0x3  }
0x92: {  	_ =	strace s17  }
0x93: {  	s2 =	sld [smem:$0x3FFC];
	_ =	sdelay $0x3  }
0x94: {  	_ =	strace s2  }
0x95: {  	s2 =	sld [smem:$0x3FFD];
	_ =	sdelay $0x3  }
0x96: {  	_ =	strace s2  }
0x97: {  	_ =	strace $0x8FFFFFFF  }
0x98: {  	s18 =	sld [smem:$0x3FDB];
	_ =	sdelay $0x1  }
0x99: {  	s19 =	simm.s32 $_scs_section_size  }
0x9a: {  	s4 =	simm.s32 $_size__tile_overlayer_lowered;
	s5 =	simm.s32 $_tile_overlayer_lowered  }
0x9b: {  	s22 =	simm.s32 $0x1BFF;
	s21 =	sshll.u32 s5, $0x1;
	s2 =	sadd.s32 s19, s18  }
0x9c: {  	s6 =	simm.s32 $0x0;
	s20 =	sshll.u32 s4, $0x1;
	s4 =	sadd.s32 s21, s2  }
0x9d: {  	[timem:s6], [sflag:s22] =	dma.local [hbm:s4], s20  }
0x9e: {  	_ =	swait.ge [sflag:s22], s20  }
0x9f: {  	s3 =	ssub.s32 $0x0, s20;
	[sflag:s22] =	ssyncset.done $0x0  }
0xa0: {  	[sflag:s22] =	ssyncadd.s32 s3;
	_ =	sdelay $0x1  }
0xa1: {  	s23 =	simm.s32 $0x1B8B  }
0xa2: {  	_ =	swait.ge [sflag:s23], $0x1  }
0xa3: {  	[sflag:s23] =	ssyncset.done $0x0  }
0xa4: {  	s25 =	simm.s32 $0x1B8E;
	s24 =	sld [smem:$0x3FFE];
	[sflag:s23] =	ssyncadd.s32 $0xFFFFFFFF  }
0xa5: {  	s26 =	simm.s32 $execute0_lowered;
	[smem:$0x3FD2] =	sst s25  }
0xa6: {  	s4 =	sshll.u32 s26, $0x1;
	_ =	strace $0x80000046;
	[dreg:$0x1] =	wrdreg $0xFFFFFFFF  }
0xa7: {  	s28 =	simm.s32 $_size_execute0_lowered;
	s2 =	sadd.s32 s2, s4;
	[dreg:$0x0] =	wrdreg $0x0  }
0xa8: {  	s4 =	sshll.u32 s28, $0x1;
	[dreg:$0x2] =	wrdreg s2  }
0xa9: {  	[dreg:$0x3] =	wrdreg s4  }
0xaa: {  	[dreg:$0x4] =	wrdreg $0xC0  }
0xab: {  	_ =	task [dreg:s6], $0x5FFFF  }
0xac: {  	[dreg:$0x1] =	wrdreg $0xFFFFFFFF  }
0xad: {  	[dreg:$0x0] =	wrdreg $0x60  }
0xae: {  	[dreg:$0x2] =	wrdreg s24  }
0xaf: {  	[dreg:$0x3] =	wrdreg $0xD0000  }
0xb0: {  	[dreg:$0x4] =	wrdreg $0x9  }
0xb1: {  	_ =	task.clear_ibuf [dreg:s6], $0x5FFFF;
	_ =	strace $0x90000046  }
0xb2: {  	s29 =	simm.s32 $0x9;
	_ =	strace $0x80000048  }
0xb3: {  	_ =	swait.ge [sflag:s29], $0x1  }
0xb4: {  	[sflag:s29] =	ssyncadd.s32 $0xFFFFFFFF  }
0xb5: {  	_ =	strace $0x90000048  }
0xb6: {  	_ =	sfence  }
0xb7: {  	s30 =	sld [smem:$0x0];
	_ =	sdelay $0x2  }
0xb8: {  	s31 =	sshll.u32 s1, $0xD;
	s1 =	sshrl.u32 s1, $0x2  }
0xb9: {  	s3 =	sand.u32 $0x4000, s31;
	s1 =	sadd.s32 s1, s30  }
0xba: {  	s0 =	sor.u32 s3, s0;
	s1 =	sshll.u32 s1, $0x11  }
0xbb: {  	s0 =	sor.u32 s1, s0  }
0xbc: {  	s0 =	sadd.s32 $0x8F2B, s0  }
0xbd: {  	[sflag:s0] =	ssyncadd.remote.s32 $0x1  }
0xbe: {  	_ =	sfence.sel $0xFFFF  }
0xbf: {  	[dreg:$0x0] =	wrdreg $0xFFFFFFFF;
	(pc) =	sbr.abs _section_cstart, $3  }
0xc0: {  	[dreg:$0x1] =	wrdreg $0xFFFFFFFF  }
0xc1: {  	_ =	task.clear_ibuf [dreg:s6], $0x2FFFF;
	_ =	strace $0x9FFFFFFF  }
0xc2: {  	(tm) =	ssettm $0x7FFFFFFF  }
0xc3: {  	_ =	shalt  }
tec
execute0_lowered:
.L_overlay_start_1:
0x0: {  	(tag) =	ssettag $0x1  }
0x1: {  	s5 =	rddreg [dreg:$0x0]  }
0x2: {  	s1 =	rddreg [dreg:$0x1];
	s2 =	srdreg.scid  }
0x3: {  	s0 =	rddreg [dreg:$0x2];
	s3 =	simm.s32 $0x0;
	s11 =	simm.s32 $0x2800  }
0x4: {  	s14 =	simm.s32 $0x80;
	s15 =	simm.s32 $0x5000;
	s16 =	simm.s32 $0x9000  }
0x5: {  	s17 =	simm.s32 $0x1;
	s18 =	simm.s32 $0x2;
	s20 =	simm.s32 $0x4E80  }
0x6: {  	s21 =	simm.s32 $0x0;
	s6 =	sand.u32 $0x1, s2;
	[smem:$0x7FF] =	sst s3  }
0x7: {  	s2 =	stileid.u32;
	s4 =	sshll.u32 s6, $0x4;
	_ =	strace $0x80000047  }
0x8: {  	s8 =	sshll.u32 s2, $0xB;
	s9 =	ssub.s32 $0x2, s6;
	s10 =	sshll.u32 s6, $0xF  }
0x9: {  	s31 =	sshll.u32 s2, $0xE;
	s12 =	sshll.u32 s2, $0x6;
	s19 =	sor.u32 s2, s4  }
0xa: {  	s4 =	sadd.s32 $0x14A00, s5;
	s8 =	sadd.s32 s8, s5;
	s30 =	sshrl.u32 s9, $0x1  }
0xb: {  	s13 =	sadd.s32 s31, s1;
	s12 =	sor.u32 $0x1C03, s12;
	s7 =	smul.u32 $0x500, s19  }
0xc: {  	s9 =	ssub.s32 s9, s30;
	s10 =	sadd.s32 s10, s8;
	s13 =	sshrl.u32 s13, $0x3  }
0xd: {  	p0 =	sgt.u32 s19, $0x3;
	s19 =	simm.s32 $0x4E00;
	s7 =	sadd.s32 s7, s5  }
0xe: {  	s9 =	smax.u32 s9, $0x1;
	s5 =	sadd.s32 $0xA00, s7;
	s6 =	sadd.s32 $0xAA00, s7  }
0xf: {  	s7 =	sadd.s32 $0x3BC00, s8;
	s8 =	sadd.s32 $0x43C00, s10;
	s10 =	simm.s32 $0x3  }
.LBB2_1:
0x10: {  	[tilespmem:s3], [sflag:$0x3] =	stream.linear.gather [hbm4b:s5+s3], $0x2800, $0x38;
	[tilespmem:$0x11000] =	vst v63  }
0x11: {  	_ =	swait.ge [sflag:s10], $0x2800  }
0x12: {  	[sflag:s10] =	ssyncset.done $0x0  }
0x13: {  	[sflag:s10] =	ssyncadd.s32 $0xFFFFD800  }
0x14: {  	[tilespmem:s11], [sflag:$0x3] =	stream.linear.gather [hbm4b:s6+s3], $0x2800, $0x38;
	[tilespmem:$0x11000] =	vst v63  }
0x15: {  	_ =	swait.ge [sflag:s10], $0x2800  }
0x16: {  	[sflag:s10] =	ssyncset.done $0x0  }
0x17: {  	[sflag:s10] =	ssyncadd.s32 $0xFFFFD800  }
0x18: {  	[spmem:s13], [sflag:s12] =	dma.local [hbm:s7], $0x800  }
0x19: {  	_ =	swait.ge [sflag:s10], $0x800  }
0x1a: {  	[sflag:s10] =	ssyncset.done $0x0  }
0x1b: {  	[sflag:s10] =	ssyncadd.s32 $0xFFFFF800  }
0x1c: {  	[bflag:$0x0] =	sbarrier.arrive $0xFFFF  }
0x1d: {  	[tilespmem:s15], [sflag:$0x1] =	stream.indirect.gather [hbm4b:s4+s14], $0x80, s3, s14, $0xb8;
	[tilespmem:$0x11000] =	vst v63  }
0x1e: {  	_ = 	snop  }
0x1f: {  	[tilespmem:s16], [sflag:$0x2] =	stream.indirect.gather [hbm4b:s4+s14], $0x80, s14, s14, $0xb8;
	[tilespmem:$0x11000] =	vst v63  }
0x20: {  	_ =	swait.ge [sflag:s17], $0x4000  }
0x21: {  	[sflag:s17] =	ssyncset.done $0x0  }
0x22: {  	s22 =	simm.s32 $0x2800;
	[sflag:s17] =	ssyncadd.s32 $0xFFFFC000  }
0x23: {  	[spmem:s1] =	stream.indirect.scatter.add.f32 [tilespmem:s15], [sflag:$0x3], $0x80, s22, s14, $0xb8;
	[tilespmem:$0x11000] =	vst v63  }
0x24: {  	_ =	swait.ge [sflag:s10], $0x4000  }
0x25: {  	[sflag:s10] =	ssyncset.done $0x0  }
0x26: {  	s30 =	simm.s32 $0x100;
	[sflag:s10] =	ssyncadd.s32 $0xFFFFC000  }
0x27: {  	[tilespmem:s15], [sflag:$0x1] =	stream.indirect.gather [hbm4b:s4+s14], $0x80, s30, s14, $0xb8;
	[tilespmem:$0x11000] =	vst v63  }
0x28: {  	_ =	swait.ge [sflag:s18], $0x4000  }
0x29: {  	[sflag:s18] =	ssyncset.done $0x0  }
0x2a: {  	s31 =	simm.s32 $0x2880;
	[sflag:s18] =	ssyncadd.s32 $0xFFFFC000  }
0x2b: {  	[spmem:s1] =	stream.indirect.scatter.add.f32 [tilespmem:s16], [sflag:$0x3], $0x80, s31, s14, $0xb8;
	[tilespmem:$0x11000] =	vst v63  }
0x2c: {  	_ =	swait.ge [sflag:s10], $0x4000  }
0x2d: {  	[sflag:s10] =	ssyncset.done $0x0  }
0x2e: {  	s23 =	simm.s32 $0x180;
	s22 =	simm.s32 $0x400;
	[sflag:s10] =	ssyncadd.s32 $0xFFFFC000  }
.LBB2_2:
0x2f: {  	[tilespmem:s16], [sflag:$0x2] =	stream.indirect.gather [hbm4b:s4+s14], $0x80, s23, s14, $0xb8;
	[tilespmem:$0x11000] =	vst v63  }
0x30: {  	s23 =	smov.u32 s22  }
0x31: {  	p1 =	sne.s32 s22, $0x9400;
	s22 =	sadd.s32 $0x400, s22;
	_ =	swait.ge [sflag:s17], $0x4000  }
0x32: {  	s23 =	sshra.s32 s23, $0x2;
	[sflag:s17] =	ssyncset.done $0x0  }
0x33: {  	s24 =	sadd.s32 $0x2800, s23;
	[sflag:s17] =	ssyncadd.s32 $0xFFFFC000  }
0x34: {  	[spmem:s1] =	stream.indirect.scatter.add.f32 [tilespmem:s15], [sflag:$0x3], $0x80, s24, s14, $0xb8;
	[tilespmem:$0x11000] =	vst v63  }
0x35: {  	_ =	swait.ge [sflag:s10], $0x4000  }
0x36: {  	[sflag:s10] =	ssyncset.done $0x0  }
0x37: {  	s24 =	sadd.s32 $0x100, s23;
	[sflag:s10] =	ssyncadd.s32 $0xFFFFC000  }
0x38: {  	[tilespmem:s15], [sflag:$0x1] =	stream.indirect.gather [hbm4b:s4+s14], $0x80, s24, s14, $0xb8;
	[tilespmem:$0x11000] =	vst v63  }
0x39: {  	_ =	swait.ge [sflag:s18], $0x4000  }
0x3a: {  	[sflag:s18] =	ssyncset.done $0x0  }
.Ltmp0:
0x3b: {  	s24 =	sadd.s32 $0x2880, s23;
	[sflag:s18] =	ssyncadd.s32 $0xFFFFC000;
	(pc) =	sbr.rel @p1 .LBB2_2-.Ltmp0, $4  }
0x3c: {  	[spmem:s1] =	stream.indirect.scatter.add.f32 [tilespmem:s16], [sflag:$0x3], $0x80, s24, s14, $0xb8;
	[tilespmem:$0x11000] =	vst v63  }
0x3d: {  	_ =	swait.ge [sflag:s10], $0x4000  }
0x3e: {  	[sflag:s10] =	ssyncset.done $0x0  }
0x3f: {  	s23 =	sadd.s32 $0x180, s23;
	[sflag:s10] =	ssyncadd.s32 $0xFFFFC000  }
0x40: {  	[tilespmem:s16], [sflag:$0x2] =	stream.indirect.gather [hbm4b:s4+s14], $0x80, s23, s14, $0xb8;
	[tilespmem:$0x11000] =	vst v63  }
0x41: {  	_ =	swait.ge [sflag:s17], $0x4000  }
0x42: {  	[sflag:s17] =	ssyncset.done $0x0  }
0x43: {  	[sflag:s17] =	ssyncadd.s32 $0xFFFFC000  }
0x44: {  	[spmem:s1] =	stream.indirect.scatter.add.f32 [tilespmem:s15], [sflag:$0x3], $0x80, s19, s14, $0xb8;
	[tilespmem:$0x11000] =	vst v63  }
0x45: {  	_ =	swait.ge [sflag:s10], $0x4000  }
0x46: {  	[sflag:s10] =	ssyncset.done $0x0  }
0x47: {  	[sflag:s10] =	ssyncadd.s32 $0xFFFFC000  }
0x48: {  	_ =	swait.ge [sflag:s18], $0x4000  }
0x49: {  	[sflag:s18] =	ssyncset.done $0x0  }
0x4a: {  	[sflag:s18] =	ssyncadd.s32 $0xFFFFC000  }
0x4b: {  	[spmem:s1] =	stream.indirect.scatter.add.f32 [tilespmem:s16], [sflag:$0x3], $0x80, s20, s14, $0xb8;
	[tilespmem:$0x11000] =	vst v63  }
0x4c: {  	_ =	swait.ge [sflag:s10], $0x4000  }
0x4d: {  	s22 =	simm.s32 @!p0 $0x80;
	[sflag:s10] =	ssyncset.done $0x0  }
0x4e: {  	s23 =	simm.s32 @!p0 $0x2700;
	s24 =	simm.s32 @!p0 $0x5000;
	[sflag:s10] =	ssyncadd.s32 $0xFFFFC000  }
0x4f: {  	[tilespmem:s24], [sflag:$0x1] =	stream.indirect.gather @!p0 [hbm4b:s4+s22], $0x80, s23, s22, $0xb8;
	[tilespmem:$0x11000] =	vst v63  }
0x50: {  	s23 =	simm.s32 @!p0 $0x1  }
0x51: {  	_ =	swait.ge @!p0 [sflag:s23], $0x4000  }
0x52: {  	[sflag:s23] =	ssyncset.done @!p0 $0x0  }
0x53: {  	[sflag:s23] =	ssyncadd.s32 @!p0 $0xFFFFC000;
	s23 =	simm.s32 @!p0 $0x4F00  }
0x54: {  	[spmem:s1] =	stream.indirect.scatter.add.f32 @!p0 [tilespmem:s24], [sflag:$0x3], $0x80, s23, s22, $0xb8;
	[tilespmem:$0x11000] =	vst v63  }
0x55: {  	s22 =	simm.s32 @!p0 $0x3  }
0x56: {  	_ =	swait.ge @!p0 [sflag:s22], $0x4000  }
0x57: {  	s21 =	sadd.s32 $0x1, s21;
	[sflag:s22] =	ssyncset.done @!p0 $0x0  }
0x58: {  	p1 =	sne.s32 s21, s9;
	[sflag:s22] =	ssyncadd.s32 @!p0 $0xFFFFC000  }
.Ltmp1:
0x59: {  	[bflag:$0x0] =	sbarrier.arrive $0xFFFF;
	(pc) =	sbr.rel @p1 .LBB2_1-.Ltmp1, $4  }
0x5a: {  	[hbm:s8], [sflag:s12] =	dma.local [spmem:s13], $0x800  }
0x5b: {  	_ =	swait.ge [sflag:s10], $0x800  }
0x5c: {  	[sflag:s10] =	ssyncset.done $0x0  }
0x5d: {  	[sflag:s10] =	ssyncadd.s32 $0xFFFFF800  }
0x5e: {  	_ =	sfence.sel $0x180000  }
0x5f: {  	[bflag:$0x0] =	sbarrier.arrive $0xFFFF  }
0x60: {  	p0 =	sne.s32 s2, $0x0;
	_ =	strace $0x90000047  }
0x61: {  	s0 =	sadd.s32 @!p0 $0x100000, s0;
	[bflag:$0x2] =	sbarrier.arrive $0xFFFF  }
0x62: {  	[sflag:s0] =	ssyncadd.tile.s32 @!p0 $0x1;
	_ =	shalt  }
.Lfunc_end2:
_tile_overlayer_lowered:
.L_overlay_start_2:
0x63: {  	(tag) =	ssettag $0x2  }
0x64: {  	s0 =	rddreg [dreg:$0x0];
	s2 =	stileid.u32  }
0x65: {  	s1 =	rddreg [dreg:$0x1];
	p0 =	sne.s32 s2, $0x0  }
0x66: {  	s3 =	rddreg [dreg:$0x2];
	[bflag:$0x3] =	sbarrier.arrive $0xFFFF;
	s2 =	simm.s32 @!p0 $0x1C03  }
0x67: {  	[timem:s3], [sflag:s2] =	dma.local @!p0 [hbm:s0], s1  }
0x68: {  	s0 =	simm.s32 @!p0 $0x3  }
0x69: {  	_ =	swait.ge @!p0 [sflag:s0], s1  }
0x6a: {  	s1 =	ssub.s32 @!p0 $0x0, s1;
	[sflag:s0] =	ssyncset.done @!p0 $0x0  }
0x6b: {  	[sflag:s0] =	ssyncadd.s32 @!p0 s1  }
0x6c: {  	[bflag:$0x3] =	sbarrier.arrive $0xFFFF  }
0x6d: {  	_ =	shalt  }

</sc_bundles>
